<compile_context>
chip_gen: v7x
topology: tpu7x:2x2x1
jax: 0.10.2.dev20260603
libtpu: 0.0.44.dev20260713+nightly
codegen_flags: <defaults>
</compile_context>

<pallas_src>
import functools

import numpy as np
import jax
import jax.numpy as jnp
from jax import lax
from jax.experimental import pallas as pl
from jax.experimental.pallas import tpu as pltpu
from jax.experimental.pallas import tpu_sc as plsc

_H = 336
_NG = 24
_SCALE = _H // _NG


def _support_matrix() -> np.ndarray:
    i = np.arange(_NG)[:, None]
    j = np.arange(_H)[None, :]
    return (np.abs(j - (_SCALE * i + (_SCALE / 2 - 0.5))) < _SCALE).astype(np.float32)


_SUP = _support_matrix()
_NSTREAM = 4
_INV_SQRT2 = float(1.0 / np.sqrt(2.0))


def _weights_body(m0_ref, m1_ref, sup_ref, supt_ref, w_ref, *, n_ann):
    half = n_ann // 2
    for g, mask_ref in enumerate((m0_ref, m1_ref)):
        m = mask_ref[...].astype(jnp.float32)
        mf = m.reshape(half * _H, _H)
        colp = jax.lax.dot_general(
            mf, supt_ref[...], (((1,), (0,)), ((), ())),
            preferred_element_type=jnp.float32)
        for a in range(half):
            t = colp[a * _H:(a + 1) * _H]
            q = jax.lax.dot_general(
                sup_ref[...], t, (((1,), (0,)), ((), ())),
                preferred_element_type=jnp.float32)
            b = (q > 0).astype(jnp.float32)
            w_ref[g * half + a] = b * (1.0 / (jnp.sum(b) + 1e-8))


def _pool_body(idx_ref, w_ref, *refs):
    del idx_ref
    out_ref = refs[-1]
    for k, f_ref in enumerate(refs[:-1]):
        w = w_ref[k]
        f = f_ref[0]
        out_ref[k] = jax.lax.dot_general(
            w, f, (((1,), (0,)), ((), ())),
            preferred_element_type=jnp.float32)


def _sc_pool_factory(sc_n, tok, d_mm):
    mesh = plsc.VectorSubcoreMesh(core_axis_name="c", subcore_axis_name="s")
    n_per_core = sc_n // 2
    tpt = tok // 16

    @functools.partial(
        pl.kernel, mesh=mesh,
        out_type=jax.ShapeDtypeStruct((sc_n, d_mm), jnp.float32),
        scratch_types=[
            pltpu.VMEM((tpt, d_mm), jnp.float32),
            pltpu.VMEM((n_per_core, d_mm), jnp.float32),
            pltpu.VMEM((tok + 16,), jnp.float32),
            pltpu.VMEM((sc_n + 16,), jnp.int32),
            pltpu.VMEM((16, d_mm), jnp.float32),
            pltpu.VMEM((d_mm,), jnp.float32),
            pltpu.VMEM_SHARED((16, n_per_core, d_mm), jnp.float32),
        ],
    )
    def sc_pool(feats_hbm, wn_hbm, idx_hbm, out_hbm,
                slab, locmf, w_vv, idx_vv, redbuf, outrow, shared):
        c = lax.axis_index("c")
        s = lax.axis_index("s")
        pltpu.sync_copy(idx_hbm, idx_vv.at[pl.ds(0, sc_n)])

        def ann_body(a, _):
            j = 2 * a + c
            row = idx_vv[pl.ds(j, 16)][0]
            pltpu.sync_copy(feats_hbm.at[row, s], slab)
            pltpu.sync_copy(wn_hbm.at[pl.ds(j * tok, tok)], w_vv.at[pl.ds(0, tok)])

            def chunk_body(q, _):
                def tok_body(n, accs):
                    wv = w_vv[pl.ds(tpt * s + n, 16)][0]
                    return tuple(
                        accs[r] + wv * slab[n, pl.ds(64 * q + 16 * r, 16)]
                        for r in range(4))
                accs = lax.fori_loop(
                    0, tpt, tok_body,
                    tuple(jnp.zeros((16,), jnp.float32) for _ in range(4)))
                for r in range(4):
                    locmf[a, pl.ds(64 * q + 16 * r, 16)] = accs[r]
                return 0
            lax.fori_loop(0, d_mm // 64, chunk_body, 0)
            return 0
        lax.fori_loop(0, n_per_core, ann_body, 0)

        pltpu.sync_copy(locmf, shared.at[s])
        plsc.subcore_barrier()
        pltpu.sync_copy(shared.at[pl.ds(0, 16), s], redbuf)

        def red_chunk(q, _):
            def red_row(r, accs):
                return tuple(
                    accs[t] + redbuf[r, pl.ds(64 * q + 16 * t, 16)]
                    for t in range(4))
            accs = lax.fori_loop(
                0, 16, red_row,
                tuple(jnp.zeros((16,), jnp.float32) for _ in range(4)))
            for t in range(4):
                outrow[pl.ds(64 * q + 16 * t, 16)] = accs[t]
            return 0
        lax.fori_loop(0, d_mm // 64, red_chunk, 0)
        pltpu.sync_copy(outrow, out_hbm.at[2 * s + c])

    return sc_pool


def _mlp1_body(mf_ref, w1_ref, b1_ref, h_ref):
    h = jax.lax.dot_general(
        mf_ref[...], w1_ref[...], (((1,), (1,)), ((), ())),
        preferred_element_type=jnp.float32)
    h = h + b1_ref[...]
    h_ref[...] = 0.5 * h * (1.0 + jax.lax.erf(h * _INV_SQRT2))


def _mlp2_body(h_ref, w2a_ref, w2b_ref, b2_ref, o_ref):
    half = w2a_ref.shape[0]
    for g, w2_ref in enumerate((w2a_ref, w2b_ref)):
        o = jax.lax.dot_general(
            h_ref[...], w2_ref[...], (((1,), (1,)), ((), ())),
            preferred_element_type=jnp.float32)
        o_ref[:, g * half:(g + 1) * half] = o + b2_ref[:, g * half:(g + 1) * half]


def kernel(feats, masks, X_features, ann_indices, frame_nums, W1, b1, W2, b2):
    del X_features, frame_nums
    num_imgs, n_ann = masks.shape[0], masks.shape[1]
    total = num_imgs * n_ann
    tok, d_mm = feats.shape[1], feats.shape[2]
    d_hid = W1.shape[0]

    masks3 = masks.reshape(total, _H, _H)
    sup = jnp.asarray(_SUP)
    supt = jnp.asarray(_SUP.T)

    w = pl.pallas_call(
        functools.partial(_weights_body, n_ann=n_ann),
        grid=(num_imgs,),
        in_specs=[
            pl.BlockSpec((n_ann // 2, _H, _H), lambda i: (2 * i, 0, 0)),
            pl.BlockSpec((n_ann // 2, _H, _H), lambda i: (2 * i + 1, 0, 0)),
            pl.BlockSpec((_NG, _H), lambda i: (0, 0)),
            pl.BlockSpec((_H, _NG), lambda i: (0, 0)),
        ],
        out_specs=pl.BlockSpec((n_ann, _NG, _NG), lambda i: (i, 0, 0)),
        out_shape=jax.ShapeDtypeStruct((total, _NG, _NG), jnp.float32),
    )(masks3, masks3, sup, supt)
    w3 = w.reshape(total, 1, tok)

    ann_flat = ann_indices.reshape(-1).astype(jnp.int32)
    sc_n = 32
    tc_n = total - sc_n
    grid_spec = pltpu.PrefetchScalarGridSpec(
        num_scalar_prefetch=1,
        grid=(tc_n // _NSTREAM,),
        in_specs=[pl.BlockSpec((_NSTREAM, 1, tok), lambda a, idx: (a, 0, 0))] + [
            pl.BlockSpec((1, tok, d_mm),
                         functools.partial(lambda a, idx, k=0: (idx[_NSTREAM * a + k], 0, 0), k=k))
            for k in range(_NSTREAM)
        ],
        out_specs=pl.BlockSpec((_NSTREAM, 1, d_mm), lambda a, idx: (a, 0, 0)),
    )
    mf_tc = pl.pallas_call(
        _pool_body,
        grid_spec=grid_spec,
        out_shape=jax.ShapeDtypeStruct((tc_n, 1, d_mm), jnp.float32),
    )(ann_flat[:tc_n], w3[:tc_n], *([feats] * _NSTREAM)).reshape(tc_n, d_mm)

    wn_flat = w.reshape(total, tok)
    feats4 = feats.reshape(feats.shape[0], 16, tok // 16, d_mm)
    mf_sc = _sc_pool_factory(sc_n, tok, d_mm)(
        feats4, wn_flat[tc_n:].reshape(-1), ann_flat[tc_n:])
    mask_feat = jnp.concatenate([mf_tc, mf_sc], axis=0)

    h = pl.pallas_call(
        _mlp1_body,
        in_specs=[
            pl.BlockSpec((total, d_mm), lambda: (0, 0)),
            pl.BlockSpec((d_hid, d_mm), lambda: (0, 0)),
            pl.BlockSpec((1, d_hid), lambda: (0, 0)),
        ],
        out_specs=pl.BlockSpec((total, d_hid), lambda: (0, 0)),
        out_shape=jax.ShapeDtypeStruct((total, d_hid), jnp.float32),
    )(mask_feat, W1, b1.reshape(1, d_hid))

    n_chunks = 8
    chunk = d_hid // n_chunks
    out = pl.pallas_call(
        _mlp2_body,
        grid=(n_chunks,),
        in_specs=[
            pl.BlockSpec((total, d_hid), lambda n: (0, 0)),
            pl.BlockSpec((chunk // 2, d_hid), lambda n: (2 * n, 0)),
            pl.BlockSpec((chunk // 2, d_hid), lambda n: (2 * n + 1, 0)),
            pl.BlockSpec((1, chunk), lambda n: (0, n)),
        ],
        out_specs=pl.BlockSpec((total, chunk), lambda n: (0, n)),
        out_shape=jax.ShapeDtypeStruct((total, d_hid), jnp.float32),
    )(h, W2, W2, b2.reshape(1, d_hid))

    region_token_nums = jnp.full(
        (num_imgs * ann_indices.shape[1],), ann_indices.shape[2], jnp.int32)
    return (out, region_token_nums)

# --- scband reference (transcript-rebuilt; emitter-appended) ---
"""Pipeline reference for scband-mask-extractor-47038481826290 (READ-ONLY COPY).

The authoritative reference and input builder live on the scoring server;
editing this copy changes nothing except your own understanding.
"""

import jax, jax.numpy as jnp
import numpy as np

NUM_IMGS = 8
N_REG = 4
GRP = 4
H = 336
D_MM = 1024
D_HID = 4096
TOK = 576


def _gelu(x):
    return 0.5 * x * (1.0 + jax.lax.erf(x / jnp.sqrt(2.0).astype(x.dtype)))


def setup_inputs(seed: int = 0) -> dict:
    key = jax.random.key(seed)
    ks = jax.random.split(key, 6)
    total_anns = NUM_IMGS * N_REG * GRP  # 128
    feats = jax.random.normal(ks[0], (total_anns, TOK, D_MM), dtype=jnp.float32)
    masks = jax.random.randint(ks[1], (NUM_IMGS, N_REG * GRP, H, H), 0, 2).astype(jnp.int32)
    X_features = jax.random.normal(ks[2], (1, D_HID), dtype=jnp.float32)
    ann_indices = jnp.arange(total_anns, dtype=jnp.int32).reshape(NUM_IMGS, N_REG, GRP)
    frame_nums = jnp.ones((NUM_IMGS,), dtype=jnp.int32)
    # feat_linear = Linear(D_MM, D_HID) -> GELU -> Linear(D_HID, D_HID)
    W1 = jax.random.normal(ks[3], (D_HID, D_MM), dtype=jnp.float32) * 0.02
    b1 = jnp.zeros((D_HID,), dtype=jnp.float32)
    W2 = jax.random.normal(ks[4], (D_HID, D_HID), dtype=jnp.float32) * 0.02
    b2 = jnp.zeros((D_HID,), dtype=jnp.float32)
    return {"feats": feats, "masks": masks, "X_features": X_features,
            "ann_indices": ann_indices, "frame_nums": frame_nums,
            "W1": W1, "b1": b1, "W2": W2, "b2": b2}


def _mask_pooling(x, mask):
    # x: [n_ann, C, N, N]; mask: [1, n_ann, Hm, Wm]
    if x.shape[-2:] != mask.shape[-2:]:
        mask = jax.image.resize(mask, (mask.shape[0], mask.shape[1], x.shape[-2], x.shape[-1]), method='bilinear')
    mask = (mask > 0).astype(mask.dtype)
    mask = jnp.transpose(mask, (1, 0, 2, 3))  # [n_ann, 1, N, N]
    denorm = mask.sum(axis=(-1, -2), keepdims=True) + 1e-08
    return (x * mask / denorm).sum(-1).sum(-1)  # [n_ann, C]


def reference(feats, masks, X_features, ann_indices, frame_nums, W1, b1, W2, b2):
    query_feats = []
    region_token_nums = []
    num_imgs = masks.shape[0]
    for idx in range(num_imgs):
        mask = masks[idx][None].astype(jnp.float32)  # [1, n_ann_img, H, W]
        # image_aspect_ratio == 'pad': H == W so padding widths are all zero (no-op)
        ann_index = ann_indices[idx].reshape(-1)
        feat = feats[ann_index]  # [n_ann_img, TOK, D_MM]
        Ng = int(np.sqrt(feat.shape[1]))
        feat = feat.reshape(feat.shape[0], Ng, Ng, -1).transpose(0, 3, 1, 2)  # [n_ann, C, N, N]
        mask_feat_raw = _mask_pooling(feat, mask)  # [n_ann_img, D_MM]
        merged = []
        start = 0
        for r in range(ann_indices.shape[1]):
            glen = ann_indices.shape[2]
            mf = mask_feat_raw[start:start + glen][None]  # [1, GRP, D_MM]
            # GRP == region_token_num (4) -> token_merge never triggered
            region_token_nums.append(mf.shape[1])
            merged.append(mf)
            start += glen
        mf_all = jnp.concatenate(merged, axis=1).reshape(-1, mask_feat_raw.shape[-1])
        query_feats.append(mf_all)
    mask_feats = jnp.concatenate(query_feats, axis=0)  # [128, D_MM]
    h = mask_feats @ W1.T + b1
    h = _gelu(h)
    out = h @ W2.T + b2
    return (out, jnp.array(region_token_nums, dtype=jnp.int32))

if __name__ == "__main__":
    import jax
    _d = setup_inputs()
    print(jax.jit(kernel)(*tuple(_d.values())))

</pallas_src>

<mosaic_0001>
#map = affine_map<(d0, d1) -> (0, 0, 0, 0)>
#map1 = affine_map<(d0, d1) -> (0)>
#map2 = affine_map<(d0, d1) -> (0, 0)>
module attributes {stable_mosaic.version = 14 : i64} {
  func.func @sc_pool(%arg0: i32, %arg1: i32, %arg2: memref<128x16x36x1024xf32, #tpu.memory_space<hbm>>, %arg3: memref<18432xf32, #tpu.memory_space<hbm>>, %arg4: memref<32xi32, #tpu.memory_space<hbm>>, %arg5: memref<32x1024xf32, #tpu.memory_space<hbm>>, %arg6: memref<36x1024xf32, #tpu.memory_space<vmem>>, %arg7: memref<16x1024xf32, #tpu.memory_space<vmem>>, %arg8: memref<592xf32, #tpu.memory_space<vmem>>, %arg9: memref<48xi32, #tpu.memory_space<vmem>>, %arg10: memref<16x1024xf32, #tpu.memory_space<vmem>>, %arg11: memref<1024xf32, #tpu.memory_space<vmem>>, %arg12: memref<16x16x1024xf32, #tpu.memory_space<vmem_shared>>) attributes {dimension_semantics = [#tpu.dimension_semantics<core_parallel>, #tpu.dimension_semantics<subcore_parallel>], iteration_bounds = array<i64: 2, 16>, scalar_prefetch = 0 : i64, scratch_operands = 7 : i64, tpu.core_type = #tpu.core_type<sc_vector_subcore>, window_params = [{transform_indices = #map}, {transform_indices = #map1}, {transform_indices = #map1}, {transform_indices = #map2}]} {
    "tpu.region"() ({
      %run_scoped3A = tpu.sem_alloc : memref<!tpu.dma_semaphore, #tpu.memory_space<semaphore_mem>>
      %dma_start3A = arith.constant 0 : i32
      %dma_start3A_14 = tpu.memref_slice %arg9[%dma_start3A] : memref<48xi32, #tpu.memory_space<vmem>> -> memref<32xi32, #tpu.memory_space<vmem>>
      %dma_start3A_15 = arith.constant 0 : i32
      %dma_start3A_16 = tpu.memref_slice %arg9[%dma_start3A_15] : memref<48xi32, #tpu.memory_space<vmem>> -> memref<32xi32, #tpu.memory_space<vmem>>
      tpu.enqueue_dma source(%arg4 : memref<32xi32, #tpu.memory_space<hbm>>) target(%dma_start3A_16 : memref<32xi32, #tpu.memory_space<vmem>>) target_semaphore(%run_scoped3A : memref<!tpu.dma_semaphore, #tpu.memory_space<semaphore_mem>>)
      %dma_wait3A = arith.constant 0 : i32
      %dma_wait3A_17 = tpu.memref_slice %arg9[%dma_wait3A] : memref<48xi32, #tpu.memory_space<vmem>> -> memref<32xi32, #tpu.memory_space<vmem>>
      %dma_wait3A_18 = arith.constant 0 : i32
      %dma_wait3A_19 = tpu.memref_slice %arg9[%dma_wait3A_18] : memref<48xi32, #tpu.memory_space<vmem>> -> memref<32xi32, #tpu.memory_space<vmem>>
      tpu.wait_dma2 semaphore(%run_scoped3A : memref<!tpu.dma_semaphore, #tpu.memory_space<semaphore_mem>>) src(%arg4 : memref<32xi32, #tpu.memory_space<hbm>>) dst(%dma_wait3A_19 : memref<32xi32, #tpu.memory_space<vmem>>)
      tpu.yield
    }) : () -> ()
    %scan3A = arith.constant 0 : i32
    %scan3A_0 = arith.constant 0 : i32
    %scan3A_1 = arith.constant 16 : i32
    %scan3A_2 = arith.addi %scan3A_0, %scan3A_1 : i32
    %scan3A_3 = arith.constant 1 : i32
    %scan3A_4 = scf.for %scan3A_14 = %scan3A_0 to %scan3A_2 step %scan3A_3 iter_args(%scan3A_15 = %scan3A) -> (i32)  : i32 {
      %mul3A_16 = arith.constant 2 : i32
      %mul3A_17 = arith.muli %mul3A_16, %scan3A_14 : i32
      %add3A_18 = arith.addi %mul3A_17, %arg0 : i32
      %get3A = arith.index_cast %add3A_18 : i32 to index
      %get3A_19 = tpu.vector_load %arg9[%get3A] {strides = array<i32>} : memref<48xi32, #tpu.memory_space<vmem>>, vector<16xi32>,
      %get3A_20 = vector.shape_cast %get3A_19 : vector<16xi32> to vector<16xi32>
      %slice3A = vector.extract_strided_slice %get3A_20 {offsets = [0], sizes = [1], strides = [1]} : vector<16xi32> to vector<1xi32>
      %squeeze3A = vector.extract %slice3A[0] : i32 from vector<1xi32>
      "tpu.region"() ({
        %run_scoped3A = tpu.sem_alloc : memref<!tpu.dma_semaphore, #tpu.memory_space<semaphore_mem>>
        %dma_start3A = arith.constant 0 : i32
        %dma_start3A_31 = arith.constant 0 : i32
        %dma_start3A_32 = tpu.memref_slice %arg2[%squeeze3A, %arg1, %dma_start3A, %dma_start3A_31] : memref<128x16x36x1024xf32, #tpu.memory_space<hbm>> -> memref<1x1x36x1024xf32, #tpu.memory_space<hbm>>
        %dma_start3A_33 = tpu.memref_squeeze %dma_start3A_32 : memref<1x1x36x1024xf32, #tpu.memory_space<hbm>> -> memref<36x1024xf32, #tpu.memory_space<hbm>>
        %dma_start3A_34 = arith.constant 0 : i32
        %dma_start3A_35 = arith.constant 0 : i32
        %dma_start3A_36 = tpu.memref_slice %arg2[%squeeze3A, %arg1, %dma_start3A_34, %dma_start3A_35] : memref<128x16x36x1024xf32, #tpu.memory_space<hbm>> -> memref<1x1x36x1024xf32, #tpu.memory_space<hbm>>
        %dma_start3A_37 = tpu.memref_squeeze %dma_start3A_36 : memref<1x1x36x1024xf32, #tpu.memory_space<hbm>> -> memref<36x1024xf32, #tpu.memory_space<hbm>>
        tpu.enqueue_dma source(%dma_start3A_37 : memref<36x1024xf32, #tpu.memory_space<hbm>>) target(%arg6 : memref<36x1024xf32, #tpu.memory_space<vmem>>) target_semaphore(%run_scoped3A : memref<!tpu.dma_semaphore, #tpu.memory_space<semaphore_mem>>)
        %dma_wait3A = arith.constant 0 : i32
        %dma_wait3A_38 = arith.constant 0 : i32
        %dma_wait3A_39 = tpu.memref_slice %arg2[%squeeze3A, %arg1, %dma_wait3A, %dma_wait3A_38] : memref<128x16x36x1024xf32, #tpu.memory_space<hbm>> -> memref<1x1x36x1024xf32, #tpu.memory_space<hbm>>
        %dma_wait3A_40 = tpu.memref_squeeze %dma_wait3A_39 : memref<1x1x36x1024xf32, #tpu.memory_space<hbm>> -> memref<36x1024xf32, #tpu.memory_space<hbm>>
        %dma_wait3A_41 = arith.constant 0 : i32
        %dma_wait3A_42 = arith.constant 0 : i32
        %dma_wait3A_43 = tpu.memref_slice %arg2[%squeeze3A, %arg1, %dma_wait3A_41, %dma_wait3A_42] : memref<128x16x36x1024xf32, #tpu.memory_space<hbm>> -> memref<1x1x36x1024xf32, #tpu.memory_space<hbm>>
        %dma_wait3A_44 = tpu.memref_squeeze %dma_wait3A_43 : memref<1x1x36x1024xf32, #tpu.memory_space<hbm>> -> memref<36x1024xf32, #tpu.memory_space<hbm>>
        tpu.wait_dma2 semaphore(%run_scoped3A : memref<!tpu.dma_semaphore, #tpu.memory_space<semaphore_mem>>) src(%dma_wait3A_44 : memref<36x1024xf32, #tpu.memory_space<hbm>>) dst(%arg6 : memref<36x1024xf32, #tpu.memory_space<vmem>>)
        tpu.yield
      }) : () -> ()
      %mul3A_21 = arith.constant 576 : i32
      %mul3A_22 = arith.muli %add3A_18, %mul3A_21 : i32
      "tpu.region"() ({
        %run_scoped3A = tpu.sem_alloc : memref<!tpu.dma_semaphore, #tpu.memory_space<semaphore_mem>>
        %dma_start3A = arith.constant 0 : i32
        %dma_start3A_31 = tpu.memref_slice %arg8[%dma_start3A] : memref<592xf32, #tpu.memory_space<vmem>> -> memref<576xf32, #tpu.memory_space<vmem>>
        %dma_start3A_32 = tpu.memref_slice %arg3[%mul3A_22] : memref<18432xf32, #tpu.memory_space<hbm>> -> memref<576xf32, #tpu.memory_space<hbm>>
        %dma_start3A_33 = arith.constant 0 : i32
        %dma_start3A_34 = tpu.memref_slice %arg8[%dma_start3A_33] : memref<592xf32, #tpu.memory_space<vmem>> -> memref<576xf32, #tpu.memory_space<vmem>>
        %dma_start3A_35 = tpu.memref_slice %arg3[%mul3A_22] : memref<18432xf32, #tpu.memory_space<hbm>> -> memref<576xf32, #tpu.memory_space<hbm>>
        tpu.enqueue_dma source(%dma_start3A_35 : memref<576xf32, #tpu.memory_space<hbm>>) target(%dma_start3A_34 : memref<576xf32, #tpu.memory_space<vmem>>) target_semaphore(%run_scoped3A : memref<!tpu.dma_semaphore, #tpu.memory_space<semaphore_mem>>)
        %dma_wait3A = arith.constant 0 : i32
        %dma_wait3A_36 = tpu.memref_slice %arg8[%dma_wait3A] : memref<592xf32, #tpu.memory_space<vmem>> -> memref<576xf32, #tpu.memory_space<vmem>>
        %dma_wait3A_37 = tpu.memref_slice %arg3[%mul3A_22] : memref<18432xf32, #tpu.memory_space<hbm>> -> memref<576xf32, #tpu.memory_space<hbm>>
        %dma_wait3A_38 = arith.constant 0 : i32
        %dma_wait3A_39 = tpu.memref_slice %arg8[%dma_wait3A_38] : memref<592xf32, #tpu.memory_space<vmem>> -> memref<576xf32, #tpu.memory_space<vmem>>
        %dma_wait3A_40 = tpu.memref_slice %arg3[%mul3A_22] : memref<18432xf32, #tpu.memory_space<hbm>> -> memref<576xf32, #tpu.memory_space<hbm>>
        tpu.wait_dma2 semaphore(%run_scoped3A : memref<!tpu.dma_semaphore, #tpu.memory_space<semaphore_mem>>) src(%dma_wait3A_40 : memref<576xf32, #tpu.memory_space<hbm>>) dst(%dma_wait3A_39 : memref<576xf32, #tpu.memory_space<vmem>>)
        tpu.yield
      }) : () -> ()
      %scan3A_23 = arith.constant 0 : i32
      %scan3A_24 = arith.constant 0 : i32
      %scan3A_25 = arith.constant 16 : i32
      %scan3A_26 = arith.addi %scan3A_24, %scan3A_25 : i32
      %scan3A_27 = arith.constant 1 : i32
      %scan3A_28 = scf.for %scan3A_31 = %scan3A_24 to %scan3A_26 step %scan3A_27 iter_args(%scan3A_32 = %scan3A_23) -> (i32)  : i32 {
        %broadcast_in_dim3A = arith.constant 0.000000e+00 : f32
        %broadcast_in_dim3A_33 = vector.broadcast %broadcast_in_dim3A : f32 to vector<16xf32>
        %broadcast_in_dim3A_34 = arith.constant 0.000000e+00 : f32
        %broadcast_in_dim3A_35 = vector.broadcast %broadcast_in_dim3A_34 : f32 to vector<16xf32>
        %broadcast_in_dim3A_36 = arith.constant 0.000000e+00 : f32
        %broadcast_in_dim3A_37 = vector.broadcast %broadcast_in_dim3A_36 : f32 to vector<16xf32>
        %broadcast_in_dim3A_38 = arith.constant 0.000000e+00 : f32
        %broadcast_in_dim3A_39 = vector.broadcast %broadcast_in_dim3A_38 : f32 to vector<16xf32>
        %scan3A_40 = arith.constant 0 : i32
        %scan3A_41 = arith.constant 36 : i32
        %scan3A_42 = arith.addi %scan3A_40, %scan3A_41 : i32
        %scan3A_43 = arith.constant 1 : i32
        %scan3A_44:4 = scf.for %scan3A_82 = %scan3A_40 to %scan3A_42 step %scan3A_43 iter_args(%scan3A_83 = %broadcast_in_dim3A_33, %scan3A_84 = %broadcast_in_dim3A_35, %scan3A_85 = %broadcast_in_dim3A_37, %scan3A_86 = %broadcast_in_dim3A_39) -> (vector<16xf32>, vector<16xf32>, vector<16xf32>, vector<16xf32>)  : i32 {
          %mul3A_87 = arith.constant 36 : i32
          %mul3A_88 = arith.muli %mul3A_87, %arg1 : i32
          %add3A_89 = arith.addi %mul3A_88, %scan3A_82 : i32
          %get3A_90 = arith.index_cast %add3A_89 : i32 to index
          %get3A_91 = tpu.vector_load %arg8[%get3A_90] {strides = array<i32>} : memref<592xf32, #tpu.memory_space<vmem>>, vector<16xf32>,
          %get3A_92 = vector.shape_cast %get3A_91 : vector<16xf32> to vector<16xf32>
          %slice3A_93 = vector.extract_strided_slice %get3A_92 {offsets = [0], sizes = [1], strides = [1]} : vector<16xf32> to vector<1xf32>
          %squeeze3A_94 = vector.extract %slice3A_93[0] : f32 from vector<1xf32>
          %mul3A_95 = arith.constant 64 : i32
          %mul3A_96 = arith.muli %mul3A_95, %scan3A_31 : i32
          %add3A_97 = arith.constant 0 : i32
          %add3A_98 = arith.addi %mul3A_96, %add3A_97 : i32
          %get3A_99 = arith.index_cast %scan3A_82 : i32 to index
          %get3A_100 = arith.index_cast %add3A_98 : i32 to index
          %get3A_101 = tpu.vector_load %arg6[%get3A_99, %get3A_100] {strides = array<i32>} : memref<36x1024xf32, #tpu.memory_space<vmem>>, vector<1x16xf32>,
          %get3A_102 = vector.shape_cast %get3A_101 : vector<1x16xf32> to vector<16xf32>
          %mul3A_103 = vector.broadcast %squeeze3A_94 : f32 to vector<16xf32>
          %mul3A_104 = arith.mulf %mul3A_103, %get3A_102 : vector<16xf32>
          %add3A_105 = arith.addf %scan3A_83, %mul3A_104 : vector<16xf32>
          %mul3A_106 = arith.constant 64 : i32
          %mul3A_107 = arith.muli %mul3A_106, %scan3A_31 : i32
          %add3A_108 = arith.constant 16 : i32
          %add3A_109 = arith.addi %mul3A_107, %add3A_108 : i32
          %get3A_110 = arith.index_cast %scan3A_82 : i32 to index
          %get3A_111 = arith.index_cast %add3A_109 : i32 to index
          %get3A_112 = tpu.vector_load %arg6[%get3A_110, %get3A_111] {strides = array<i32>} : memref<36x1024xf32, #tpu.memory_space<vmem>>, vector<1x16xf32>,
          %get3A_113 = vector.shape_cast %get3A_112 : vector<1x16xf32> to vector<16xf32>
          %mul3A_114 = vector.broadcast %squeeze3A_94 : f32 to vector<16xf32>
          %mul3A_115 = arith.mulf %mul3A_114, %get3A_113 : vector<16xf32>
          %add3A_116 = arith.addf %scan3A_84, %mul3A_115 : vector<16xf32>
          %mul3A_117 = arith.constant 64 : i32
          %mul3A_118 = arith.muli %mul3A_117, %scan3A_31 : i32
          %add3A_119 = arith.constant 32 : i32
          %add3A_120 = arith.addi %mul3A_118, %add3A_119 : i32
          %get3A_121 = arith.index_cast %scan3A_82 : i32 to index
          %get3A_122 = arith.index_cast %add3A_120 : i32 to index
          %get3A_123 = tpu.vector_load %arg6[%get3A_121, %get3A_122] {strides = array<i32>} : memref<36x1024xf32, #tpu.memory_space<vmem>>, vector<1x16xf32>,
          %get3A_124 = vector.shape_cast %get3A_123 : vector<1x16xf32> to vector<16xf32>
          %mul3A_125 = vector.broadcast %squeeze3A_94 : f32 to vector<16xf32>
          %mul3A_126 = arith.mulf %mul3A_125, %get3A_124 : vector<16xf32>
          %add3A_127 = arith.addf %scan3A_85, %mul3A_126 : vector<16xf32>
          %mul3A_128 = arith.constant 64 : i32
          %mul3A_129 = arith.muli %mul3A_128, %scan3A_31 : i32
          %add3A_130 = arith.constant 48 : i32
          %add3A_131 = arith.addi %mul3A_129, %add3A_130 : i32
          %get3A_132 = arith.index_cast %scan3A_82 : i32 to index
          %get3A_133 = arith.index_cast %add3A_131 : i32 to index
          %get3A_134 = tpu.vector_load %arg6[%get3A_132, %get3A_133] {strides = array<i32>} : memref<36x1024xf32, #tpu.memory_space<vmem>>, vector<1x16xf32>,
          %get3A_135 = vector.shape_cast %get3A_134 : vector<1x16xf32> to vector<16xf32>
          %mul3A_136 = vector.broadcast %squeeze3A_94 : f32 to vector<16xf32>
          %mul3A_137 = arith.mulf %mul3A_136, %get3A_135 : vector<16xf32>
          %add3A_138 = arith.addf %scan3A_86, %mul3A_137 : vector<16xf32>
          scf.yield %add3A_105, %add3A_116, %add3A_127, %add3A_138 : vector<16xf32>, vector<16xf32>, vector<16xf32>, vector<16xf32>
        }
        %scan3A_45 = arith.constant 36 : i32
        %mul3A_46 = arith.constant 64 : i32
        %mul3A_47 = arith.muli %mul3A_46, %scan3A_31 : i32
        %add3A_48 = arith.constant 0 : i32
        %add3A_49 = arith.addi %mul3A_47, %add3A_48 : i32
        %swap3A = arith.index_cast %scan3A_14 : i32 to index
        %swap3A_50 = arith.index_cast %add3A_49 : i32 to index
        %swap3A_51 = tpu.vector_load %arg7[%swap3A, %swap3A_50] {strides = array<i32>} : memref<16x1024xf32, #tpu.memory_space<vmem>>, vector<1x16xf32>,
        %swap3A_52 = vector.shape_cast %swap3A_51 : vector<1x16xf32> to vector<16xf32>
        %swap3A_53 = vector.shape_cast %scan3A_44#0 : vector<16xf32> to vector<1x16xf32>
        tpu.vector_store %arg7[%swap3A, %swap3A_50], %swap3A_53 {strides = array<i32>} : memref<16x1024xf32, #tpu.memory_space<vmem>>, vector<1x16xf32>,
        %mul3A_54 = arith.constant 64 : i32
        %mul3A_55 = arith.muli %mul3A_54, %scan3A_31 : i32
        %add3A_56 = arith.constant 16 : i32
        %add3A_57 = arith.addi %mul3A_55, %add3A_56 : i32
        %swap3A_58 = arith.index_cast %scan3A_14 : i32 to index
        %swap3A_59 = arith.index_cast %add3A_57 : i32 to index
        %swap3A_60 = tpu.vector_load %arg7[%swap3A_58, %swap3A_59] {strides = array<i32>} : memref<16x1024xf32, #tpu.memory_space<vmem>>, vector<1x16xf32>,
        %swap3A_61 = vector.shape_cast %swap3A_60 : vector<1x16xf32> to vector<16xf32>
        %swap3A_62 = vector.shape_cast %scan3A_44#1 : vector<16xf32> to vector<1x16xf32>
        tpu.vector_store %arg7[%swap3A_58, %swap3A_59], %swap3A_62 {strides = array<i32>} : memref<16x1024xf32, #tpu.memory_space<vmem>>, vector<1x16xf32>,
        %mul3A_63 = arith.constant 64 : i32
        %mul3A_64 = arith.muli %mul3A_63, %scan3A_31 : i32
        %add3A_65 = arith.constant 32 : i32
        %add3A_66 = arith.addi %mul3A_64, %add3A_65 : i32
        %swap3A_67 = arith.index_cast %scan3A_14 : i32 to index
        %swap3A_68 = arith.index_cast %add3A_66 : i32 to index
        %swap3A_69 = tpu.vector_load %arg7[%swap3A_67, %swap3A_68] {strides = array<i32>} : memref<16x1024xf32, #tpu.memory_space<vmem>>, vector<1x16xf32>,
        %swap3A_70 = vector.shape_cast %swap3A_69 : vector<1x16xf32> to vector<16xf32>
        %swap3A_71 = vector.shape_cast %scan3A_44#2 : vector<16xf32> to vector<1x16xf32>
        tpu.vector_store %arg7[%swap3A_67, %swap3A_68], %swap3A_71 {strides = array<i32>} : memref<16x1024xf32, #tpu.memory_space<vmem>>, vector<1x16xf32>,
        %mul3A_72 = arith.constant 64 : i32
        %mul3A_73 = arith.muli %mul3A_72, %scan3A_31 : i32
        %add3A_74 = arith.constant 48 : i32
        %add3A_75 = arith.addi %mul3A_73, %add3A_74 : i32
        %swap3A_76 = arith.index_cast %scan3A_14 : i32 to index
        %swap3A_77 = arith.index_cast %add3A_75 : i32 to index
        %swap3A_78 = tpu.vector_load %arg7[%swap3A_76, %swap3A_77] {strides = array<i32>} : memref<16x1024xf32, #tpu.memory_space<vmem>>, vector<1x16xf32>,
        %swap3A_79 = vector.shape_cast %swap3A_78 : vector<1x16xf32> to vector<16xf32>
        %swap3A_80 = vector.shape_cast %scan3A_44#3 : vector<16xf32> to vector<1x16xf32>
        tpu.vector_store %arg7[%swap3A_76, %swap3A_77], %swap3A_80 {strides = array<i32>} : memref<16x1024xf32, #tpu.memory_space<vmem>>, vector<1x16xf32>,
        %scan3A_81 = arith.constant 0 : i32
        scf.yield %scan3A_81 : i32
      }
      %scan3A_29 = arith.constant 16 : i32
      %scan3A_30 = arith.constant 0 : i32
      scf.yield %scan3A_30 : i32
    }
    %scan3A_5 = arith.constant 16 : i32
    "tpu.region"() ({
      %run_scoped3A = tpu.sem_alloc : memref<!tpu.dma_semaphore, #tpu.memory_space<semaphore_mem>>
      %dma_start3A = arith.constant 0 : i32
      %dma_start3A_14 = arith.constant 0 : i32
      %dma_start3A_15 = tpu.memref_slice %arg12[%arg1, %dma_start3A, %dma_start3A_14] : memref<16x16x1024xf32, #tpu.memory_space<vmem_shared>> -> memref<1x16x1024xf32, #tpu.memory_space<vmem_shared>>
      %dma_start3A_16 = tpu.memref_squeeze %dma_start3A_15 : memref<1x16x1024xf32, #tpu.memory_space<vmem_shared>> -> memref<16x1024xf32, #tpu.memory_space<vmem_shared>>
      %dma_start3A_17 = arith.constant 0 : i32
      %dma_start3A_18 = arith.constant 0 : i32
      %dma_start3A_19 = tpu.memref_slice %arg12[%arg1, %dma_start3A_17, %dma_start3A_18] : memref<16x16x1024xf32, #tpu.memory_space<vmem_shared>> -> memref<1x16x1024xf32, #tpu.memory_space<vmem_shared>>
      %dma_start3A_20 = tpu.memref_squeeze %dma_start3A_19 : memref<1x16x1024xf32, #tpu.memory_space<vmem_shared>> -> memref<16x1024xf32, #tpu.memory_space<vmem_shared>>
      tpu.enqueue_dma source(%arg7 : memref<16x1024xf32, #tpu.memory_space<vmem>>) target(%dma_start3A_20 : memref<16x1024xf32, #tpu.memory_space<vmem_shared>>) target_semaphore(%run_scoped3A : memref<!tpu.dma_semaphore, #tpu.memory_space<semaphore_mem>>)
      %dma_wait3A = arith.constant 0 : i32
      %dma_wait3A_21 = arith.constant 0 : i32
      %dma_wait3A_22 = tpu.memref_slice %arg12[%arg1, %dma_wait3A, %dma_wait3A_21] : memref<16x16x1024xf32, #tpu.memory_space<vmem_shared>> -> memref<1x16x1024xf32, #tpu.memory_space<vmem_shared>>
      %dma_wait3A_23 = tpu.memref_squeeze %dma_wait3A_22 : memref<1x16x1024xf32, #tpu.memory_space<vmem_shared>> -> memref<16x1024xf32, #tpu.memory_space<vmem_shared>>
      %dma_wait3A_24 = arith.constant 0 : i32
      %dma_wait3A_25 = arith.constant 0 : i32
      %dma_wait3A_26 = tpu.memref_slice %arg12[%arg1, %dma_wait3A_24, %dma_wait3A_25] : memref<16x16x1024xf32, #tpu.memory_space<vmem_shared>> -> memref<1x16x1024xf32, #tpu.memory_space<vmem_shared>>
      %dma_wait3A_27 = tpu.memref_squeeze %dma_wait3A_26 : memref<1x16x1024xf32, #tpu.memory_space<vmem_shared>> -> memref<16x1024xf32, #tpu.memory_space<vmem_shared>>
      tpu.wait_dma2 semaphore(%run_scoped3A : memref<!tpu.dma_semaphore, #tpu.memory_space<semaphore_mem>>) src(%arg7 : memref<16x1024xf32, #tpu.memory_space<vmem>>) dst(%dma_wait3A_27 : memref<16x1024xf32, #tpu.memory_space<vmem_shared>>)
      tpu.yield
    }) : () -> ()
    %barrier3A = arith.constant 0 : index
    tpu.barrier barrier_id(%barrier3A)
    "tpu.region"() ({
      %run_scoped3A = tpu.sem_alloc : memref<!tpu.dma_semaphore, #tpu.memory_space<semaphore_mem>>
      %dma_start3A = arith.constant 0 : i32
      %dma_start3A_14 = arith.constant 0 : i32
      %dma_start3A_15 = tpu.memref_slice %arg12[%dma_start3A, %arg1, %dma_start3A_14] : memref<16x16x1024xf32, #tpu.memory_space<vmem_shared>> -> memref<16x1x1024xf32, #tpu.memory_space<vmem_shared>>
      %dma_start3A_16 = tpu.memref_squeeze %dma_start3A_15 : memref<16x1x1024xf32, #tpu.memory_space<vmem_shared>> -> memref<16x1024xf32, #tpu.memory_space<vmem_shared>>
      %dma_start3A_17 = arith.constant 0 : i32
      %dma_start3A_18 = arith.constant 0 : i32
      %dma_start3A_19 = tpu.memref_slice %arg12[%dma_start3A_17, %arg1, %dma_start3A_18] : memref<16x16x1024xf32, #tpu.memory_space<vmem_shared>> -> memref<16x1x1024xf32, #tpu.memory_space<vmem_shared>>
      %dma_start3A_20 = tpu.memref_squeeze %dma_start3A_19 : memref<16x1x1024xf32, #tpu.memory_space<vmem_shared>> -> memref<16x1024xf32, #tpu.memory_space<vmem_shared>>
      tpu.enqueue_dma source(%dma_start3A_20 : memref<16x1024xf32, #tpu.memory_space<vmem_shared>>) target(%arg10 : memref<16x1024xf32, #tpu.memory_space<vmem>>) target_semaphore(%run_scoped3A : memref<!tpu.dma_semaphore, #tpu.memory_space<semaphore_mem>>)
      %dma_wait3A = arith.constant 0 : i32
      %dma_wait3A_21 = arith.constant 0 : i32
      %dma_wait3A_22 = tpu.memref_slice %arg12[%dma_wait3A, %arg1, %dma_wait3A_21] : memref<16x16x1024xf32, #tpu.memory_space<vmem_shared>> -> memref<16x1x1024xf32, #tpu.memory_space<vmem_shared>>
      %dma_wait3A_23 = tpu.memref_squeeze %dma_wait3A_22 : memref<16x1x1024xf32, #tpu.memory_space<vmem_shared>> -> memref<16x1024xf32, #tpu.memory_space<vmem_shared>>
      %dma_wait3A_24 = arith.constant 0 : i32
      %dma_wait3A_25 = arith.constant 0 : i32
      %dma_wait3A_26 = tpu.memref_slice %arg12[%dma_wait3A_24, %arg1, %dma_wait3A_25] : memref<16x16x1024xf32, #tpu.memory_space<vmem_shared>> -> memref<16x1x1024xf32, #tpu.memory_space<vmem_shared>>
      %dma_wait3A_27 = tpu.memref_squeeze %dma_wait3A_26 : memref<16x1x1024xf32, #tpu.memory_space<vmem_shared>> -> memref<16x1024xf32, #tpu.memory_space<vmem_shared>>
      tpu.wait_dma2 semaphore(%run_scoped3A : memref<!tpu.dma_semaphore, #tpu.memory_space<semaphore_mem>>) src(%dma_wait3A_27 : memref<16x1024xf32, #tpu.memory_space<vmem_shared>>) dst(%arg10 : memref<16x1024xf32, #tpu.memory_space<vmem>>)
      tpu.yield
    }) : () -> ()
    %scan3A_6 = arith.constant 0 : i32
    %scan3A_7 = arith.constant 0 : i32
    %scan3A_8 = arith.constant 16 : i32
    %scan3A_9 = arith.addi %scan3A_7, %scan3A_8 : i32
    %scan3A_10 = arith.constant 1 : i32
    %scan3A_11 = scf.for %scan3A_14 = %scan3A_7 to %scan3A_9 step %scan3A_10 iter_args(%scan3A_15 = %scan3A_6) -> (i32)  : i32 {
      %broadcast_in_dim3A = arith.constant 0.000000e+00 : f32
      %broadcast_in_dim3A_16 = vector.broadcast %broadcast_in_dim3A : f32 to vector<16xf32>
      %broadcast_in_dim3A_17 = arith.constant 0.000000e+00 : f32
      %broadcast_in_dim3A_18 = vector.broadcast %broadcast_in_dim3A_17 : f32 to vector<16xf32>
      %broadcast_in_dim3A_19 = arith.constant 0.000000e+00 : f32
      %broadcast_in_dim3A_20 = vector.broadcast %broadcast_in_dim3A_19 : f32 to vector<16xf32>
      %broadcast_in_dim3A_21 = arith.constant 0.000000e+00 : f32
      %broadcast_in_dim3A_22 = vector.broadcast %broadcast_in_dim3A_21 : f32 to vector<16xf32>
      %scan3A_23 = arith.constant 0 : i32
      %scan3A_24 = arith.constant 16 : i32
      %scan3A_25 = arith.addi %scan3A_23, %scan3A_24 : i32
      %scan3A_26 = arith.constant 1 : i32
      %scan3A_27:4 = scf.for %scan3A_61 = %scan3A_23 to %scan3A_25 step %scan3A_26 iter_args(%scan3A_62 = %broadcast_in_dim3A_16, %scan3A_63 = %broadcast_in_dim3A_18, %scan3A_64 = %broadcast_in_dim3A_20, %scan3A_65 = %broadcast_in_dim3A_22) -> (vector<16xf32>, vector<16xf32>, vector<16xf32>, vector<16xf32>)  : i32 {
        %mul3A_66 = arith.constant 64 : i32
        %mul3A_67 = arith.muli %mul3A_66, %scan3A_14 : i32
        %add3A_68 = arith.constant 0 : i32
        %add3A_69 = arith.addi %mul3A_67, %add3A_68 : i32
        %get3A = arith.index_cast %scan3A_61 : i32 to index
        %get3A_70 = arith.index_cast %add3A_69 : i32 to index
        %get3A_71 = tpu.vector_load %arg10[%get3A, %get3A_70] {strides = array<i32>} : memref<16x1024xf32, #tpu.memory_space<vmem>>, vector<1x16xf32>,
        %get3A_72 = vector.shape_cast %get3A_71 : vector<1x16xf32> to vector<16xf32>
        %add3A_73 = arith.addf %scan3A_62, %get3A_72 : vector<16xf32>
        %mul3A_74 = arith.constant 64 : i32
        %mul3A_75 = arith.muli %mul3A_74, %scan3A_14 : i32
        %add3A_76 = arith.constant 16 : i32
        %add3A_77 = arith.addi %mul3A_75, %add3A_76 : i32
        %get3A_78 = arith.index_cast %scan3A_61 : i32 to index
        %get3A_79 = arith.index_cast %add3A_77 : i32 to index
        %get3A_80 = tpu.vector_load %arg10[%get3A_78, %get3A_79] {strides = array<i32>} : memref<16x1024xf32, #tpu.memory_space<vmem>>, vector<1x16xf32>,
        %get3A_81 = vector.shape_cast %get3A_80 : vector<1x16xf32> to vector<16xf32>
        %add3A_82 = arith.addf %scan3A_63, %get3A_81 : vector<16xf32>
        %mul3A_83 = arith.constant 64 : i32
        %mul3A_84 = arith.muli %mul3A_83, %scan3A_14 : i32
        %add3A_85 = arith.constant 32 : i32
        %add3A_86 = arith.addi %mul3A_84, %add3A_85 : i32
        %get3A_87 = arith.index_cast %scan3A_61 : i32 to index
        %get3A_88 = arith.index_cast %add3A_86 : i32 to index
        %get3A_89 = tpu.vector_load %arg10[%get3A_87, %get3A_88] {strides = array<i32>} : memref<16x1024xf32, #tpu.memory_space<vmem>>, vector<1x16xf32>,
        %get3A_90 = vector.shape_cast %get3A_89 : vector<1x16xf32> to vector<16xf32>
        %add3A_91 = arith.addf %scan3A_64, %get3A_90 : vector<16xf32>
        %mul3A_92 = arith.constant 64 : i32
        %mul3A_93 = arith.muli %mul3A_92, %scan3A_14 : i32
        %add3A_94 = arith.constant 48 : i32
        %add3A_95 = arith.addi %mul3A_93, %add3A_94 : i32
        %get3A_96 = arith.index_cast %scan3A_61 : i32 to index
        %get3A_97 = arith.index_cast %add3A_95 : i32 to index
        %get3A_98 = tpu.vector_load %arg10[%get3A_96, %get3A_97] {strides = array<i32>} : memref<16x1024xf32, #tpu.memory_space<vmem>>, vector<1x16xf32>,
        %get3A_99 = vector.shape_cast %get3A_98 : vector<1x16xf32> to vector<16xf32>
        %add3A_100 = arith.addf %scan3A_65, %get3A_99 : vector<16xf32>
        scf.yield %add3A_73, %add3A_82, %add3A_91, %add3A_100 : vector<16xf32>, vector<16xf32>, vector<16xf32>, vector<16xf32>
      }
      %scan3A_28 = arith.constant 16 : i32
      %mul3A_29 = arith.constant 64 : i32
      %mul3A_30 = arith.muli %mul3A_29, %scan3A_14 : i32
      %add3A_31 = arith.constant 0 : i32
      %add3A_32 = arith.addi %mul3A_30, %add3A_31 : i32
      %swap3A = arith.index_cast %add3A_32 : i32 to index
      %swap3A_33 = tpu.vector_load %arg11[%swap3A] {strides = array<i32>} : memref<1024xf32, #tpu.memory_space<vmem>>, vector<16xf32>,
      %swap3A_34 = vector.shape_cast %swap3A_33 : vector<16xf32> to vector<16xf32>
      %swap3A_35 = vector.shape_cast %scan3A_27#0 : vector<16xf32> to vector<16xf32>
      tpu.vector_store %arg11[%swap3A], %swap3A_35 {strides = array<i32>} : memref<1024xf32, #tpu.memory_space<vmem>>, vector<16xf32>,
      %mul3A_36 = arith.constant 64 : i32
      %mul3A_37 = arith.muli %mul3A_36, %scan3A_14 : i32
      %add3A_38 = arith.constant 16 : i32
      %add3A_39 = arith.addi %mul3A_37, %add3A_38 : i32
      %swap3A_40 = arith.index_cast %add3A_39 : i32 to index
      %swap3A_41 = tpu.vector_load %arg11[%swap3A_40] {strides = array<i32>} : memref<1024xf32, #tpu.memory_space<vmem>>, vector<16xf32>,
      %swap3A_42 = vector.shape_cast %swap3A_41 : vector<16xf32> to vector<16xf32>
      %swap3A_43 = vector.shape_cast %scan3A_27#1 : vector<16xf32> to vector<16xf32>
      tpu.vector_store %arg11[%swap3A_40], %swap3A_43 {strides = array<i32>} : memref<1024xf32, #tpu.memory_space<vmem>>, vector<16xf32>,
      %mul3A_44 = arith.constant 64 : i32
      %mul3A_45 = arith.muli %mul3A_44, %scan3A_14 : i32
      %add3A_46 = arith.constant 32 : i32
      %add3A_47 = arith.addi %mul3A_45, %add3A_46 : i32
      %swap3A_48 = arith.index_cast %add3A_47 : i32 to index
      %swap3A_49 = tpu.vector_load %arg11[%swap3A_48] {strides = array<i32>} : memref<1024xf32, #tpu.memory_space<vmem>>, vector<16xf32>,
      %swap3A_50 = vector.shape_cast %swap3A_49 : vector<16xf32> to vector<16xf32>
      %swap3A_51 = vector.shape_cast %scan3A_27#2 : vector<16xf32> to vector<16xf32>
      tpu.vector_store %arg11[%swap3A_48], %swap3A_51 {strides = array<i32>} : memref<1024xf32, #tpu.memory_space<vmem>>, vector<16xf32>,
      %mul3A_52 = arith.constant 64 : i32
      %mul3A_53 = arith.muli %mul3A_52, %scan3A_14 : i32
      %add3A_54 = arith.constant 48 : i32
      %add3A_55 = arith.addi %mul3A_53, %add3A_54 : i32
      %swap3A_56 = arith.index_cast %add3A_55 : i32 to index
      %swap3A_57 = tpu.vector_load %arg11[%swap3A_56] {strides = array<i32>} : memref<1024xf32, #tpu.memory_space<vmem>>, vector<16xf32>,
      %swap3A_58 = vector.shape_cast %swap3A_57 : vector<16xf32> to vector<16xf32>
      %swap3A_59 = vector.shape_cast %scan3A_27#3 : vector<16xf32> to vector<16xf32>
      tpu.vector_store %arg11[%swap3A_56], %swap3A_59 {strides = array<i32>} : memref<1024xf32, #tpu.memory_space<vmem>>, vector<16xf32>,
      %scan3A_60 = arith.constant 0 : i32
      scf.yield %scan3A_60 : i32
    }
    %scan3A_12 = arith.constant 16 : i32
    %mul3A = arith.constant 2 : i32
    %mul3A_13 = arith.muli %mul3A, %arg1 : i32
    %add3A = arith.addi %mul3A_13, %arg0 : i32
    "tpu.region"() ({
      %run_scoped3A = tpu.sem_alloc : memref<!tpu.dma_semaphore, #tpu.memory_space<semaphore_mem>>
      %dma_start3A = arith.constant 0 : i32
      %dma_start3A_14 = tpu.memref_slice %arg5[%add3A, %dma_start3A] : memref<32x1024xf32, #tpu.memory_space<hbm>> -> memref<1x1024xf32, #tpu.memory_space<hbm>>
      %dma_start3A_15 = tpu.memref_squeeze %dma_start3A_14 : memref<1x1024xf32, #tpu.memory_space<hbm>> -> memref<1024xf32, #tpu.memory_space<hbm>>
      %dma_start3A_16 = arith.constant 0 : i32
      %dma_start3A_17 = tpu.memref_slice %arg5[%add3A, %dma_start3A_16] : memref<32x1024xf32, #tpu.memory_space<hbm>> -> memref<1x1024xf32, #tpu.memory_space<hbm>>
      %dma_start3A_18 = tpu.memref_squeeze %dma_start3A_17 : memref<1x1024xf32, #tpu.memory_space<hbm>> -> memref<1024xf32, #tpu.memory_space<hbm>>
      tpu.enqueue_dma source(%arg11 : memref<1024xf32, #tpu.memory_space<vmem>>) target(%dma_start3A_18 : memref<1024xf32, #tpu.memory_space<hbm>>) target_semaphore(%run_scoped3A : memref<!tpu.dma_semaphore, #tpu.memory_space<semaphore_mem>>)
      %dma_wait3A = arith.constant 0 : i32
      %dma_wait3A_19 = tpu.memref_slice %arg5[%add3A, %dma_wait3A] : memref<32x1024xf32, #tpu.memory_space<hbm>> -> memref<1x1024xf32, #tpu.memory_space<hbm>>
      %dma_wait3A_20 = tpu.memref_squeeze %dma_wait3A_19 : memref<1x1024xf32, #tpu.memory_space<hbm>> -> memref<1024xf32, #tpu.memory_space<hbm>>
      %dma_wait3A_21 = arith.constant 0 : i32
      %dma_wait3A_22 = tpu.memref_slice %arg5[%add3A, %dma_wait3A_21] : memref<32x1024xf32, #tpu.memory_space<hbm>> -> memref<1x1024xf32, #tpu.memory_space<hbm>>
      %dma_wait3A_23 = tpu.memref_squeeze %dma_wait3A_22 : memref<1x1024xf32, #tpu.memory_space<hbm>> -> memref<1024xf32, #tpu.memory_space<hbm>>
      tpu.wait_dma2 semaphore(%run_scoped3A : memref<!tpu.dma_semaphore, #tpu.memory_space<semaphore_mem>>) src(%arg11 : memref<1024xf32, #tpu.memory_space<vmem>>) dst(%dma_wait3A_23 : memref<1024xf32, #tpu.memory_space<hbm>>)
      tpu.yield
    }) : () -> ()
    return
  }
}

module attributes {stable_mosaic.version = 14 : i64} {
  func.func @_weights_body(%arg0: i32, %arg1: memref<8x336x336xi32, #tpu.memory_space<vmem>>, %arg2: memref<8x336x336xi32, #tpu.memory_space<vmem>>, %arg3: memref<24x336xf32, #tpu.memory_space<vmem>>, %arg4: memref<336x24xf32, #tpu.memory_space<vmem>>, %arg5: memref<16x24x24xf32, #tpu.memory_space<vmem>>) attributes {dimension_semantics = [#tpu.dimension_semantics<arbitrary>], iteration_bounds = array<i64: 8>, scalar_prefetch = 0 : i64, scratch_operands = 0 : i64, tpu.core_type = #tpu.core_type<tc>, window_params = [{transform_indices = @transform_0, window_bounds = array<i64: 8, 336, 336>}, {transform_indices = @transform_1, window_bounds = array<i64: 8, 336, 336>}, {pipeline_mode = #tpu.pipeline_mode<synchronous>, transform_indices = @transform_2, window_bounds = array<i64: 24, 336>}, {pipeline_mode = #tpu.pipeline_mode<synchronous>, transform_indices = @transform_3, window_bounds = array<i64: 336, 24>}, {transform_indices = @transform_4, window_bounds = array<i64: 16, 24, 24>}]} {
    %get3A = arith.constant 0 : index
    %get3A_0 = arith.constant 0 : index
    %get3A_1 = arith.constant 0 : index
    %get3A_2 = vector.load %arg1[%get3A, %get3A_0, %get3A_1] : memref<8x336x336xi32, #tpu.memory_space<vmem>>, vector<8x336x336xi32>
    %convert_element_type3A = arith.sitofp %get3A_2 : vector<8x336x336xi32> to vector<8x336x336xf32>
    %reshape3A = vector.shape_cast %convert_element_type3A : vector<8x336x336xf32> to vector<2688x336xf32>
    %get3A_3 = arith.constant 0 : index
    %get3A_4 = arith.constant 0 : index
    %get3A_5 = vector.load %arg4[%get3A_3, %get3A_4] : memref<336x24xf32, #tpu.memory_space<vmem>>, vector<336x24xf32>
    %dot_general3A = arith.constant dense<0.000000e+00> : vector<2688x24xf32>
    %dot_general3A_6 = tpu.matmul %reshape3A, %get3A_5, %dot_general3A {dimension_numbers = #tpu.dot_dimension_numbers<[1], [0], [0], [1], [0, 0, 1, 1], [], []>, transpose_lhs_hint = false} : vector<2688x336xf32>, vector<336x24xf32>, vector<2688x24xf32> -> vector<2688x24xf32>
    %slice3A = vector.extract_strided_slice %dot_general3A_6 {offsets = [0, 0], sizes = [336, 24], strides = [1, 1]} : vector<2688x24xf32> to vector<336x24xf32>
    %get3A_7 = arith.constant 0 : index
    %get3A_8 = arith.constant 0 : index
    %get3A_9 = vector.load %arg3[%get3A_7, %get3A_8] : memref<24x336xf32, #tpu.memory_space<vmem>>, vector<24x336xf32>
    %dot_general3A_10 = arith.constant dense<0.000000e+00> : vector<24x24xf32>
    %dot_general3A_11 = tpu.matmul %get3A_9, %slice3A, %dot_general3A_10 {dimension_numbers = #tpu.dot_dimension_numbers<[1], [0], [0], [1], [0, 0, 1, 1], [], []>, transpose_lhs_hint = false} : vector<24x336xf32>, vector<336x24xf32>, vector<24x24xf32> -> vector<24x24xf32>
    %gt3A = arith.constant 0.000000e+00 : f32
    %gt3A_12 = vector.broadcast %gt3A : f32 to vector<24x24xf32>
    %gt3A_13 = arith.cmpf ogt, %dot_general3A_11, %gt3A_12 : vector<24x24xf32>
    %convert_element_type3A_14 = arith.extui %gt3A_13 : vector<24x24xi1> to vector<24x24xi32>
    %convert_element_type3A_15 = arith.sitofp %convert_element_type3A_14 : vector<24x24xi32> to vector<24x24xf32>
    %reduce_sum3A = vector.shape_cast %convert_element_type3A_15 : vector<24x24xf32> to vector<1x24x24xf32>
    %reduce_sum3A_16 = arith.constant dense<0.000000e+00> : vector<1xf32>
    %reduce_sum3A_17 = vector.multi_reduction <add>, %reduce_sum3A, %reduce_sum3A_16 [1, 2] : vector<1x24x24xf32> to vector<1xf32>
    %reduce_sum3A_18 = vector.shape_cast %reduce_sum3A_17 : vector<1xf32> to vector<1x1x1xf32>
    %reduce_sum3A_19 = vector.extract %reduce_sum3A_18[0, 0, 0] : f32 from vector<1x1x1xf32>
    %add3A = arith.constant 9.99999993E-9 : f32
    %add3A_20 = arith.addf %reduce_sum3A_19, %add3A : f32
    %div3A = arith.constant 1.000000e+00 : f32
    %div3A_21 = arith.divf %div3A, %add3A_20 : f32
    %mul3A = vector.broadcast %div3A_21 : f32 to vector<24x24xf32>
    %mul3A_22 = arith.mulf %convert_element_type3A_15, %mul3A : vector<24x24xf32>
    %swap3A = arith.constant 0 : index
    %swap3A_23 = arith.constant 0 : index
    %swap3A_24 = arith.constant 0 : index
    %swap3A_25 = vector.load %arg5[%swap3A, %swap3A_23, %swap3A_24] : memref<16x24x24xf32, #tpu.memory_space<vmem>>, vector<1x24x24xf32>
    %swap3A_26 = vector.shape_cast %swap3A_25 : vector<1x24x24xf32> to vector<24x24xf32>
    %swap3A_27 = vector.shape_cast %mul3A_22 : vector<24x24xf32> to vector<1x24x24xf32>
    tpu.vector_store %arg5[%swap3A, %swap3A_23, %swap3A_24], %swap3A_27 {strides = array<i32>} : memref<16x24x24xf32, #tpu.memory_space<vmem>>, vector<1x24x24xf32>,
    %slice3A_28 = vector.extract_strided_slice %dot_general3A_6 {offsets = [336, 0], sizes = [336, 24], strides = [1, 1]} : vector<2688x24xf32> to vector<336x24xf32>
    %get3A_29 = arith.constant 0 : index
    %get3A_30 = arith.constant 0 : index
    %get3A_31 = vector.load %arg3[%get3A_29, %get3A_30] : memref<24x336xf32, #tpu.memory_space<vmem>>, vector<24x336xf32>
    %dot_general3A_32 = arith.constant dense<0.000000e+00> : vector<24x24xf32>
    %dot_general3A_33 = tpu.matmul %get3A_31, %slice3A_28, %dot_general3A_32 {dimension_numbers = #tpu.dot_dimension_numbers<[1], [0], [0], [1], [0, 0, 1, 1], [], []>, transpose_lhs_hint = false} : vector<24x336xf32>, vector<336x24xf32>, vector<24x24xf32> -> vector<24x24xf32>
    %gt3A_34 = arith.constant 0.000000e+00 : f32
    %gt3A_35 = vector.broadcast %gt3A_34 : f32 to vector<24x24xf32>
    %gt3A_36 = arith.cmpf ogt, %dot_general3A_33, %gt3A_35 : vector<24x24xf32>
    %convert_element_type3A_37 = arith.extui %gt3A_36 : vector<24x24xi1> to vector<24x24xi32>
    %convert_element_type3A_38 = arith.sitofp %convert_element_type3A_37 : vector<24x24xi32> to vector<24x24xf32>
    %reduce_sum3A_39 = vector.shape_cast %convert_element_type3A_38 : vector<24x24xf32> to vector<1x24x24xf32>
    %reduce_sum3A_40 = arith.constant dense<0.000000e+00> : vector<1xf32>
    %reduce_sum3A_41 = vector.multi_reduction <add>, %reduce_sum3A_39, %reduce_sum3A_40 [1, 2] : vector<1x24x24xf32> to vector<1xf32>
    %reduce_sum3A_42 = vector.shape_cast %reduce_sum3A_41 : vector<1xf32> to vector<1x1x1xf32>
    %reduce_sum3A_43 = vector.extract %reduce_sum3A_42[0, 0, 0] : f32 from vector<1x1x1xf32>
    %add3A_44 = arith.constant 9.99999993E-9 : f32
    %add3A_45 = arith.addf %reduce_sum3A_43, %add3A_44 : f32
    %div3A_46 = arith.constant 1.000000e+00 : f32
    %div3A_47 = arith.divf %div3A_46, %add3A_45 : f32
    %mul3A_48 = vector.broadcast %div3A_47 : f32 to vector<24x24xf32>
    %mul3A_49 = arith.mulf %convert_element_type3A_38, %mul3A_48 : vector<24x24xf32>
    %swap3A_50 = arith.constant 1 : index
    %swap3A_51 = arith.constant 0 : index
    %swap3A_52 = arith.constant 0 : index
    %swap3A_53 = vector.load %arg5[%swap3A_50, %swap3A_51, %swap3A_52] : memref<16x24x24xf32, #tpu.memory_space<vmem>>, vector<1x24x24xf32>
    %swap3A_54 = vector.shape_cast %swap3A_53 : vector<1x24x24xf32> to vector<24x24xf32>
    %swap3A_55 = vector.shape_cast %mul3A_49 : vector<24x24xf32> to vector<1x24x24xf32>
    tpu.vector_store %arg5[%swap3A_50, %swap3A_51, %swap3A_52], %swap3A_55 {strides = array<i32>} : memref<16x24x24xf32, #tpu.memory_space<vmem>>, vector<1x24x24xf32>,
    %slice3A_56 = vector.extract_strided_slice %dot_general3A_6 {offsets = [672, 0], sizes = [336, 24], strides = [1, 1]} : vector<2688x24xf32> to vector<336x24xf32>
    %get3A_57 = arith.constant 0 : index
    %get3A_58 = arith.constant 0 : index
    %get3A_59 = vector.load %arg3[%get3A_57, %get3A_58] : memref<24x336xf32, #tpu.memory_space<vmem>>, vector<24x336xf32>
    %dot_general3A_60 = arith.constant dense<0.000000e+00> : vector<24x24xf32>
    %dot_general3A_61 = tpu.matmul %get3A_59, %slice3A_56, %dot_general3A_60 {dimension_numbers = #tpu.dot_dimension_numbers<[1], [0], [0], [1], [0, 0, 1, 1], [], []>, transpose_lhs_hint = false} : vector<24x336xf32>, vector<336x24xf32>, vector<24x24xf32> -> vector<24x24xf32>
    %gt3A_62 = arith.constant 0.000000e+00 : f32
    %gt3A_63 = vector.broadcast %gt3A_62 : f32 to vector<24x24xf32>
    %gt3A_64 = arith.cmpf ogt, %dot_general3A_61, %gt3A_63 : vector<24x24xf32>
    %convert_element_type3A_65 = arith.extui %gt3A_64 : vector<24x24xi1> to vector<24x24xi32>
    %convert_element_type3A_66 = arith.sitofp %convert_element_type3A_65 : vector<24x24xi32> to vector<24x24xf32>
    %reduce_sum3A_67 = vector.shape_cast %convert_element_type3A_66 : vector<24x24xf32> to vector<1x24x24xf32>
    %reduce_sum3A_68 = arith.constant dense<0.000000e+00> : vector<1xf32>
    %reduce_sum3A_69 = vector.multi_reduction <add>, %reduce_sum3A_67, %reduce_sum3A_68 [1, 2] : vector<1x24x24xf32> to vector<1xf32>
    %reduce_sum3A_70 = vector.shape_cast %reduce_sum3A_69 : vector<1xf32> to vector<1x1x1xf32>
    %reduce_sum3A_71 = vector.extract %reduce_sum3A_70[0, 0, 0] : f32 from vector<1x1x1xf32>
    %add3A_72 = arith.constant 9.99999993E-9 : f32
    %add3A_73 = arith.addf %reduce_sum3A_71, %add3A_72 : f32
    %div3A_74 = arith.constant 1.000000e+00 : f32
    %div3A_75 = arith.divf %div3A_74, %add3A_73 : f32
    %mul3A_76 = vector.broadcast %div3A_75 : f32 to vector<24x24xf32>
    %mul3A_77 = arith.mulf %convert_element_type3A_66, %mul3A_76 : vector<24x24xf32>
    %swap3A_78 = arith.constant 2 : index
    %swap3A_79 = arith.constant 0 : index
    %swap3A_80 = arith.constant 0 : index
    %swap3A_81 = vector.load %arg5[%swap3A_78, %swap3A_79, %swap3A_80] : memref<16x24x24xf32, #tpu.memory_space<vmem>>, vector<1x24x24xf32>
    %swap3A_82 = vector.shape_cast %swap3A_81 : vector<1x24x24xf32> to vector<24x24xf32>
    %swap3A_83 = vector.shape_cast %mul3A_77 : vector<24x24xf32> to vector<1x24x24xf32>
    tpu.vector_store %arg5[%swap3A_78, %swap3A_79, %swap3A_80], %swap3A_83 {strides = array<i32>} : memref<16x24x24xf32, #tpu.memory_space<vmem>>, vector<1x24x24xf32>,
    %slice3A_84 = vector.extract_strided_slice %dot_general3A_6 {offsets = [1008, 0], sizes = [336, 24], strides = [1, 1]} : vector<2688x24xf32> to vector<336x24xf32>
    %get3A_85 = arith.constant 0 : index
    %get3A_86 = arith.constant 0 : index
    %get3A_87 = vector.load %arg3[%get3A_85, %get3A_86] : memref<24x336xf32, #tpu.memory_space<vmem>>, vector<24x336xf32>
    %dot_general3A_88 = arith.constant dense<0.000000e+00> : vector<24x24xf32>
    %dot_general3A_89 = tpu.matmul %get3A_87, %slice3A_84, %dot_general3A_88 {dimension_numbers = #tpu.dot_dimension_numbers<[1], [0], [0], [1], [0, 0, 1, 1], [], []>, transpose_lhs_hint = false} : vector<24x336xf32>, vector<336x24xf32>, vector<24x24xf32> -> vector<24x24xf32>
    %gt3A_90 = arith.constant 0.000000e+00 : f32
    %gt3A_91 = vector.broadcast %gt3A_90 : f32 to vector<24x24xf32>
    %gt3A_92 = arith.cmpf ogt, %dot_general3A_89, %gt3A_91 : vector<24x24xf32>
    %convert_element_type3A_93 = arith.extui %gt3A_92 : vector<24x24xi1> to vector<24x24xi32>
    %convert_element_type3A_94 = arith.sitofp %convert_element_type3A_93 : vector<24x24xi32> to vector<24x24xf32>
    %reduce_sum3A_95 = vector.shape_cast %convert_element_type3A_94 : vector<24x24xf32> to vector<1x24x24xf32>
    %reduce_sum3A_96 = arith.constant dense<0.000000e+00> : vector<1xf32>
    %reduce_sum3A_97 = vector.multi_reduction <add>, %reduce_sum3A_95, %reduce_sum3A_96 [1, 2] : vector<1x24x24xf32> to vector<1xf32>
    %reduce_sum3A_98 = vector.shape_cast %reduce_sum3A_97 : vector<1xf32> to vector<1x1x1xf32>
    %reduce_sum3A_99 = vector.extract %reduce_sum3A_98[0, 0, 0] : f32 from vector<1x1x1xf32>
    %add3A_100 = arith.constant 9.99999993E-9 : f32
    %add3A_101 = arith.addf %reduce_sum3A_99, %add3A_100 : f32
    %div3A_102 = arith.constant 1.000000e+00 : f32
    %div3A_103 = arith.divf %div3A_102, %add3A_101 : f32
    %mul3A_104 = vector.broadcast %div3A_103 : f32 to vector<24x24xf32>
    %mul3A_105 = arith.mulf %convert_element_type3A_94, %mul3A_104 : vector<24x24xf32>
    %swap3A_106 = arith.constant 3 : index
    %swap3A_107 = arith.constant 0 : index
    %swap3A_108 = arith.constant 0 : index
    %swap3A_109 = vector.load %arg5[%swap3A_106, %swap3A_107, %swap3A_108] : memref<16x24x24xf32, #tpu.memory_space<vmem>>, vector<1x24x24xf32>
    %swap3A_110 = vector.shape_cast %swap3A_109 : vector<1x24x24xf32> to vector<24x24xf32>
    %swap3A_111 = vector.shape_cast %mul3A_105 : vector<24x24xf32> to vector<1x24x24xf32>
    tpu.vector_store %arg5[%swap3A_106, %swap3A_107, %swap3A_108], %swap3A_111 {strides = array<i32>} : memref<16x24x24xf32, #tpu.memory_space<vmem>>, vector<1x24x24xf32>,
    %slice3A_112 = vector.extract_strided_slice %dot_general3A_6 {offsets = [1344, 0], sizes = [336, 24], strides = [1, 1]} : vector<2688x24xf32> to vector<336x24xf32>
    %get3A_113 = arith.constant 0 : index
    %get3A_114 = arith.constant 0 : index
    %get3A_115 = vector.load %arg3[%get3A_113, %get3A_114] : memref<24x336xf32, #tpu.memory_space<vmem>>, vector<24x336xf32>
    %dot_general3A_116 = arith.constant dense<0.000000e+00> : vector<24x24xf32>
    %dot_general3A_117 = tpu.matmul %get3A_115, %slice3A_112, %dot_general3A_116 {dimension_numbers = #tpu.dot_dimension_numbers<[1], [0], [0], [1], [0, 0, 1, 1], [], []>, transpose_lhs_hint = false} : vector<24x336xf32>, vector<336x24xf32>, vector<24x24xf32> -> vector<24x24xf32>
    %gt3A_118 = arith.constant 0.000000e+00 : f32
    %gt3A_119 = vector.broadcast %gt3A_118 : f32 to vector<24x24xf32>
    %gt3A_120 = arith.cmpf ogt, %dot_general3A_117, %gt3A_119 : vector<24x24xf32>
    %convert_element_type3A_121 = arith.extui %gt3A_120 : vector<24x24xi1> to vector<24x24xi32>
    %convert_element_type3A_122 = arith.sitofp %convert_element_type3A_121 : vector<24x24xi32> to vector<24x24xf32>
    %reduce_sum3A_123 = vector.shape_cast %convert_element_type3A_122 : vector<24x24xf32> to vector<1x24x24xf32>
    %reduce_sum3A_124 = arith.constant dense<0.000000e+00> : vector<1xf32>
    %reduce_sum3A_125 = vector.multi_reduction <add>, %reduce_sum3A_123, %reduce_sum3A_124 [1, 2] : vector<1x24x24xf32> to vector<1xf32>
    %reduce_sum3A_126 = vector.shape_cast %reduce_sum3A_125 : vector<1xf32> to vector<1x1x1xf32>
    %reduce_sum3A_127 = vector.extract %reduce_sum3A_126[0, 0, 0] : f32 from vector<1x1x1xf32>
    %add3A_128 = arith.constant 9.99999993E-9 : f32
    %add3A_129 = arith.addf %reduce_sum3A_127, %add3A_128 : f32
    %div3A_130 = arith.constant 1.000000e+00 : f32
    %div3A_131 = arith.divf %div3A_130, %add3A_129 : f32
    %mul3A_132 = vector.broadcast %div3A_131 : f32 to vector<24x24xf32>
    %mul3A_133 = arith.mulf %convert_element_type3A_122, %mul3A_132 : vector<24x24xf32>
    %swap3A_134 = arith.constant 4 : index
    %swap3A_135 = arith.constant 0 : index
    %swap3A_136 = arith.constant 0 : index
    %swap3A_137 = vector.load %arg5[%swap3A_134, %swap3A_135, %swap3A_136] : memref<16x24x24xf32, #tpu.memory_space<vmem>>, vector<1x24x24xf32>
    %swap3A_138 = vector.shape_cast %swap3A_137 : vector<1x24x24xf32> to vector<24x24xf32>
    %swap3A_139 = vector.shape_cast %mul3A_133 : vector<24x24xf32> to vector<1x24x24xf32>
    tpu.vector_store %arg5[%swap3A_134, %swap3A_135, %swap3A_136], %swap3A_139 {strides = array<i32>} : memref<16x24x24xf32, #tpu.memory_space<vmem>>, vector<1x24x24xf32>,
    %slice3A_140 = vector.extract_strided_slice %dot_general3A_6 {offsets = [1680, 0], sizes = [336, 24], strides = [1, 1]} : vector<2688x24xf32> to vector<336x24xf32>
    %get3A_141 = arith.constant 0 : index
    %get3A_142 = arith.constant 0 : index
    %get3A_143 = vector.load %arg3[%get3A_141, %get3A_142] : memref<24x336xf32, #tpu.memory_space<vmem>>, vector<24x336xf32>
    %dot_general3A_144 = arith.constant dense<0.000000e+00> : vector<24x24xf32>
    %dot_general3A_145 = tpu.matmul %get3A_143, %slice3A_140, %dot_general3A_144 {dimension_numbers = #tpu.dot_dimension_numbers<[1], [0], [0], [1], [0, 0, 1, 1], [], []>, transpose_lhs_hint = false} : vector<24x336xf32>, vector<336x24xf32>, vector<24x24xf32> -> vector<24x24xf32>
    %gt3A_146 = arith.constant 0.000000e+00 : f32
    %gt3A_147 = vector.broadcast %gt3A_146 : f32 to vector<24x24xf32>
    %gt3A_148 = arith.cmpf ogt, %dot_general3A_145, %gt3A_147 : vector<24x24xf32>
    %convert_element_type3A_149 = arith.extui %gt3A_148 : vector<24x24xi1> to vector<24x24xi32>
    %convert_element_type3A_150 = arith.sitofp %convert_element_type3A_149 : vector<24x24xi32> to vector<24x24xf32>
    %reduce_sum3A_151 = vector.shape_cast %convert_element_type3A_150 : vector<24x24xf32> to vector<1x24x24xf32>
    %reduce_sum3A_152 = arith.constant dense<0.000000e+00> : vector<1xf32>
    %reduce_sum3A_153 = vector.multi_reduction <add>, %reduce_sum3A_151, %reduce_sum3A_152 [1, 2] : vector<1x24x24xf32> to vector<1xf32>
    %reduce_sum3A_154 = vector.shape_cast %reduce_sum3A_153 : vector<1xf32> to vector<1x1x1xf32>
    %reduce_sum3A_155 = vector.extract %reduce_sum3A_154[0, 0, 0] : f32 from vector<1x1x1xf32>
    %add3A_156 = arith.constant 9.99999993E-9 : f32
    %add3A_157 = arith.addf %reduce_sum3A_155, %add3A_156 : f32
    %div3A_158 = arith.constant 1.000000e+00 : f32
    %div3A_159 = arith.divf %div3A_158, %add3A_157 : f32
    %mul3A_160 = vector.broadcast %div3A_159 : f32 to vector<24x24xf32>
    %mul3A_161 = arith.mulf %convert_element_type3A_150, %mul3A_160 : vector<24x24xf32>
    %swap3A_162 = arith.constant 5 : index
    %swap3A_163 = arith.constant 0 : index
    %swap3A_164 = arith.constant 0 : index
    %swap3A_165 = vector.load %arg5[%swap3A_162, %swap3A_163, %swap3A_164] : memref<16x24x24xf32, #tpu.memory_space<vmem>>, vector<1x24x24xf32>
    %swap3A_166 = vector.shape_cast %swap3A_165 : vector<1x24x24xf32> to vector<24x24xf32>
    %swap3A_167 = vector.shape_cast %mul3A_161 : vector<24x24xf32> to vector<1x24x24xf32>
    tpu.vector_store %arg5[%swap3A_162, %swap3A_163, %swap3A_164], %swap3A_167 {strides = array<i32>} : memref<16x24x24xf32, #tpu.memory_space<vmem>>, vector<1x24x24xf32>,
    %slice3A_168 = vector.extract_strided_slice %dot_general3A_6 {offsets = [2016, 0], sizes = [336, 24], strides = [1, 1]} : vector<2688x24xf32> to vector<336x24xf32>
    %get3A_169 = arith.constant 0 : index
    %get3A_170 = arith.constant 0 : index
    %get3A_171 = vector.load %arg3[%get3A_169, %get3A_170] : memref<24x336xf32, #tpu.memory_space<vmem>>, vector<24x336xf32>
    %dot_general3A_172 = arith.constant dense<0.000000e+00> : vector<24x24xf32>
    %dot_general3A_173 = tpu.matmul %get3A_171, %slice3A_168, %dot_general3A_172 {dimension_numbers = #tpu.dot_dimension_numbers<[1], [0], [0], [1], [0, 0, 1, 1], [], []>, transpose_lhs_hint = false} : vector<24x336xf32>, vector<336x24xf32>, vector<24x24xf32> -> vector<24x24xf32>
    %gt3A_174 = arith.constant 0.000000e+00 : f32
    %gt3A_175 = vector.broadcast %gt3A_174 : f32 to vector<24x24xf32>
    %gt3A_176 = arith.cmpf ogt, %dot_general3A_173, %gt3A_175 : vector<24x24xf32>
    %convert_element_type3A_177 = arith.extui %gt3A_176 : vector<24x24xi1> to vector<24x24xi32>
    %convert_element_type3A_178 = arith.sitofp %convert_element_type3A_177 : vector<24x24xi32> to vector<24x24xf32>
    %reduce_sum3A_179 = vector.shape_cast %convert_element_type3A_178 : vector<24x24xf32> to vector<1x24x24xf32>
    %reduce_sum3A_180 = arith.constant dense<0.000000e+00> : vector<1xf32>
    %reduce_sum3A_181 = vector.multi_reduction <add>, %reduce_sum3A_179, %reduce_sum3A_180 [1, 2] : vector<1x24x24xf32> to vector<1xf32>
    %reduce_sum3A_182 = vector.shape_cast %reduce_sum3A_181 : vector<1xf32> to vector<1x1x1xf32>
    %reduce_sum3A_183 = vector.extract %reduce_sum3A_182[0, 0, 0] : f32 from vector<1x1x1xf32>
    %add3A_184 = arith.constant 9.99999993E-9 : f32
    %add3A_185 = arith.addf %reduce_sum3A_183, %add3A_184 : f32
    %div3A_186 = arith.constant 1.000000e+00 : f32
    %div3A_187 = arith.divf %div3A_186, %add3A_185 : f32
    %mul3A_188 = vector.broadcast %div3A_187 : f32 to vector<24x24xf32>
    %mul3A_189 = arith.mulf %convert_element_type3A_178, %mul3A_188 : vector<24x24xf32>
    %swap3A_190 = arith.constant 6 : index
    %swap3A_191 = arith.constant 0 : index
    %swap3A_192 = arith.constant 0 : index
    %swap3A_193 = vector.load %arg5[%swap3A_190, %swap3A_191, %swap3A_192] : memref<16x24x24xf32, #tpu.memory_space<vmem>>, vector<1x24x24xf32>
    %swap3A_194 = vector.shape_cast %swap3A_193 : vector<1x24x24xf32> to vector<24x24xf32>
    %swap3A_195 = vector.shape_cast %mul3A_189 : vector<24x24xf32> to vector<1x24x24xf32>
    tpu.vector_store %arg5[%swap3A_190, %swap3A_191, %swap3A_192], %swap3A_195 {strides = array<i32>} : memref<16x24x24xf32, #tpu.memory_space<vmem>>, vector<1x24x24xf32>,
    %slice3A_196 = vector.extract_strided_slice %dot_general3A_6 {offsets = [2352, 0], sizes = [336, 24], strides = [1, 1]} : vector<2688x24xf32> to vector<336x24xf32>
    %get3A_197 = arith.constant 0 : index
    %get3A_198 = arith.constant 0 : index
    %get3A_199 = vector.load %arg3[%get3A_197, %get3A_198] : memref<24x336xf32, #tpu.memory_space<vmem>>, vector<24x336xf32>
    %dot_general3A_200 = arith.constant dense<0.000000e+00> : vector<24x24xf32>
    %dot_general3A_201 = tpu.matmul %get3A_199, %slice3A_196, %dot_general3A_200 {dimension_numbers = #tpu.dot_dimension_numbers<[1], [0], [0], [1], [0, 0, 1, 1], [], []>, transpose_lhs_hint = false} : vector<24x336xf32>, vector<336x24xf32>, vector<24x24xf32> -> vector<24x24xf32>
    %gt3A_202 = arith.constant 0.000000e+00 : f32
    %gt3A_203 = vector.broadcast %gt3A_202 : f32 to vector<24x24xf32>
    %gt3A_204 = arith.cmpf ogt, %dot_general3A_201, %gt3A_203 : vector<24x24xf32>
    %convert_element_type3A_205 = arith.extui %gt3A_204 : vector<24x24xi1> to vector<24x24xi32>
    %convert_element_type3A_206 = arith.sitofp %convert_element_type3A_205 : vector<24x24xi32> to vector<24x24xf32>
    %reduce_sum3A_207 = vector.shape_cast %convert_element_type3A_206 : vector<24x24xf32> to vector<1x24x24xf32>
    %reduce_sum3A_208 = arith.constant dense<0.000000e+00> : vector<1xf32>
    %reduce_sum3A_209 = vector.multi_reduction <add>, %reduce_sum3A_207, %reduce_sum3A_208 [1, 2] : vector<1x24x24xf32> to vector<1xf32>
    %reduce_sum3A_210 = vector.shape_cast %reduce_sum3A_209 : vector<1xf32> to vector<1x1x1xf32>
    %reduce_sum3A_211 = vector.extract %reduce_sum3A_210[0, 0, 0] : f32 from vector<1x1x1xf32>
    %add3A_212 = arith.constant 9.99999993E-9 : f32
    %add3A_213 = arith.addf %reduce_sum3A_211, %add3A_212 : f32
    %div3A_214 = arith.constant 1.000000e+00 : f32
    %div3A_215 = arith.divf %div3A_214, %add3A_213 : f32
    %mul3A_216 = vector.broadcast %div3A_215 : f32 to vector<24x24xf32>
    %mul3A_217 = arith.mulf %convert_element_type3A_206, %mul3A_216 : vector<24x24xf32>
    %swap3A_218 = arith.constant 7 : index
    %swap3A_219 = arith.constant 0 : index
    %swap3A_220 = arith.constant 0 : index
    %swap3A_221 = vector.load %arg5[%swap3A_218, %swap3A_219, %swap3A_220] : memref<16x24x24xf32, #tpu.memory_space<vmem>>, vector<1x24x24xf32>
    %swap3A_222 = vector.shape_cast %swap3A_221 : vector<1x24x24xf32> to vector<24x24xf32>
    %swap3A_223 = vector.shape_cast %mul3A_217 : vector<24x24xf32> to vector<1x24x24xf32>
    tpu.vector_store %arg5[%swap3A_218, %swap3A_219, %swap3A_220], %swap3A_223 {strides = array<i32>} : memref<16x24x24xf32, #tpu.memory_space<vmem>>, vector<1x24x24xf32>,
    %get3A_224 = arith.constant 0 : index
    %get3A_225 = arith.constant 0 : index
    %get3A_226 = arith.constant 0 : index
    %get3A_227 = vector.load %arg2[%get3A_224, %get3A_225, %get3A_226] : memref<8x336x336xi32, #tpu.memory_space<vmem>>, vector<8x336x336xi32>
    %convert_element_type3A_228 = arith.sitofp %get3A_227 : vector<8x336x336xi32> to vector<8x336x336xf32>
    %reshape3A_229 = vector.shape_cast %convert_element_type3A_228 : vector<8x336x336xf32> to vector<2688x336xf32>
    %get3A_230 = arith.constant 0 : index
    %get3A_231 = arith.constant 0 : index
    %get3A_232 = vector.load %arg4[%get3A_230, %get3A_231] : memref<336x24xf32, #tpu.memory_space<vmem>>, vector<336x24xf32>
    %dot_general3A_233 = arith.constant dense<0.000000e+00> : vector<2688x24xf32>
    %dot_general3A_234 = tpu.matmul %reshape3A_229, %get3A_232, %dot_general3A_233 {dimension_numbers = #tpu.dot_dimension_numbers<[1], [0], [0], [1], [0, 0, 1, 1], [], []>, transpose_lhs_hint = false} : vector<2688x336xf32>, vector<336x24xf32>, vector<2688x24xf32> -> vector<2688x24xf32>
    %slice3A_235 = vector.extract_strided_slice %dot_general3A_234 {offsets = [0, 0], sizes = [336, 24], strides = [1, 1]} : vector<2688x24xf32> to vector<336x24xf32>
    %get3A_236 = arith.constant 0 : index
    %get3A_237 = arith.constant 0 : index
    %get3A_238 = vector.load %arg3[%get3A_236, %get3A_237] : memref<24x336xf32, #tpu.memory_space<vmem>>, vector<24x336xf32>
    %dot_general3A_239 = arith.constant dense<0.000000e+00> : vector<24x24xf32>
    %dot_general3A_240 = tpu.matmul %get3A_238, %slice3A_235, %dot_general3A_239 {dimension_numbers = #tpu.dot_dimension_numbers<[1], [0], [0], [1], [0, 0, 1, 1], [], []>, transpose_lhs_hint = false} : vector<24x336xf32>, vector<336x24xf32>, vector<24x24xf32> -> vector<24x24xf32>
    %gt3A_241 = arith.constant 0.000000e+00 : f32
    %gt3A_242 = vector.broadcast %gt3A_241 : f32 to vector<24x24xf32>
    %gt3A_243 = arith.cmpf ogt, %dot_general3A_240, %gt3A_242 : vector<24x24xf32>
    %convert_element_type3A_244 = arith.extui %gt3A_243 : vector<24x24xi1> to vector<24x24xi32>
    %convert_element_type3A_245 = arith.sitofp %convert_element_type3A_244 : vector<24x24xi32> to vector<24x24xf32>
    %reduce_sum3A_246 = vector.shape_cast %convert_element_type3A_245 : vector<24x24xf32> to vector<1x24x24xf32>
    %reduce_sum3A_247 = arith.constant dense<0.000000e+00> : vector<1xf32>
    %reduce_sum3A_248 = vector.multi_reduction <add>, %reduce_sum3A_246, %reduce_sum3A_247 [1, 2] : vector<1x24x24xf32> to vector<1xf32>
    %reduce_sum3A_249 = vector.shape_cast %reduce_sum3A_248 : vector<1xf32> to vector<1x1x1xf32>
    %reduce_sum3A_250 = vector.extract %reduce_sum3A_249[0, 0, 0] : f32 from vector<1x1x1xf32>
    %add3A_251 = arith.constant 9.99999993E-9 : f32
    %add3A_252 = arith.addf %reduce_sum3A_250, %add3A_251 : f32
    %div3A_253 = arith.constant 1.000000e+00 : f32
    %div3A_254 = arith.divf %div3A_253, %add3A_252 : f32
    %mul3A_255 = vector.broadcast %div3A_254 : f32 to vector<24x24xf32>
    %mul3A_256 = arith.mulf %convert_element_type3A_245, %mul3A_255 : vector<24x24xf32>
    %swap3A_257 = arith.constant 8 : index
    %swap3A_258 = arith.constant 0 : index
    %swap3A_259 = arith.constant 0 : index
    %swap3A_260 = vector.load %arg5[%swap3A_257, %swap3A_258, %swap3A_259] : memref<16x24x24xf32, #tpu.memory_space<vmem>>, vector<1x24x24xf32>
    %swap3A_261 = vector.shape_cast %swap3A_260 : vector<1x24x24xf32> to vector<24x24xf32>
    %swap3A_262 = vector.shape_cast %mul3A_256 : vector<24x24xf32> to vector<1x24x24xf32>
    tpu.vector_store %arg5[%swap3A_257, %swap3A_258, %swap3A_259], %swap3A_262 {strides = array<i32>} : memref<16x24x24xf32, #tpu.memory_space<vmem>>, vector<1x24x24xf32>,
    %slice3A_263 = vector.extract_strided_slice %dot_general3A_234 {offsets = [336, 0], sizes = [336, 24], strides = [1, 1]} : vector<2688x24xf32> to vector<336x24xf32>
    %get3A_264 = arith.constant 0 : index
    %get3A_265 = arith.constant 0 : index
    %get3A_266 = vector.load %arg3[%get3A_264, %get3A_265] : memref<24x336xf32, #tpu.memory_space<vmem>>, vector<24x336xf32>
    %dot_general3A_267 = arith.constant dense<0.000000e+00> : vector<24x24xf32>
    %dot_general3A_268 = tpu.matmul %get3A_266, %slice3A_263, %dot_general3A_267 {dimension_numbers = #tpu.dot_dimension_numbers<[1], [0], [0], [1], [0, 0, 1, 1], [], []>, transpose_lhs_hint = false} : vector<24x336xf32>, vector<336x24xf32>, vector<24x24xf32> -> vector<24x24xf32>
    %gt3A_269 = arith.constant 0.000000e+00 : f32
    %gt3A_270 = vector.broadcast %gt3A_269 : f32 to vector<24x24xf32>
    %gt3A_271 = arith.cmpf ogt, %dot_general3A_268, %gt3A_270 : vector<24x24xf32>
    %convert_element_type3A_272 = arith.extui %gt3A_271 : vector<24x24xi1> to vector<24x24xi32>
    %convert_element_type3A_273 = arith.sitofp %convert_element_type3A_272 : vector<24x24xi32> to vector<24x24xf32>
    %reduce_sum3A_274 = vector.shape_cast %convert_element_type3A_273 : vector<24x24xf32> to vector<1x24x24xf32>
    %reduce_sum3A_275 = arith.constant dense<0.000000e+00> : vector<1xf32>
    %reduce_sum3A_276 = vector.multi_reduction <add>, %reduce_sum3A_274, %reduce_sum3A_275 [1, 2] : vector<1x24x24xf32> to vector<1xf32>
    %reduce_sum3A_277 = vector.shape_cast %reduce_sum3A_276 : vector<1xf32> to vector<1x1x1xf32>
    %reduce_sum3A_278 = vector.extract %reduce_sum3A_277[0, 0, 0] : f32 from vector<1x1x1xf32>
    %add3A_279 = arith.constant 9.99999993E-9 : f32
    %add3A_280 = arith.addf %reduce_sum3A_278, %add3A_279 : f32
    %div3A_281 = arith.constant 1.000000e+00 : f32
    %div3A_282 = arith.divf %div3A_281, %add3A_280 : f32
    %mul3A_283 = vector.broadcast %div3A_282 : f32 to vector<24x24xf32>
    %mul3A_284 = arith.mulf %convert_element_type3A_273, %mul3A_283 : vector<24x24xf32>
    %swap3A_285 = arith.constant 9 : index
    %swap3A_286 = arith.constant 0 : index
    %swap3A_287 = arith.constant 0 : index
    %swap3A_288 = vector.load %arg5[%swap3A_285, %swap3A_286, %swap3A_287] : memref<16x24x24xf32, #tpu.memory_space<vmem>>, vector<1x24x24xf32>
    %swap3A_289 = vector.shape_cast %swap3A_288 : vector<1x24x24xf32> to vector<24x24xf32>
    %swap3A_290 = vector.shape_cast %mul3A_284 : vector<24x24xf32> to vector<1x24x24xf32>
    tpu.vector_store %arg5[%swap3A_285, %swap3A_286, %swap3A_287], %swap3A_290 {strides = array<i32>} : memref<16x24x24xf32, #tpu.memory_space<vmem>>, vector<1x24x24xf32>,
    %slice3A_291 = vector.extract_strided_slice %dot_general3A_234 {offsets = [672, 0], sizes = [336, 24], strides = [1, 1]} : vector<2688x24xf32> to vector<336x24xf32>
    %get3A_292 = arith.constant 0 : index
    %get3A_293 = arith.constant 0 : index
    %get3A_294 = vector.load %arg3[%get3A_292, %get3A_293] : memref<24x336xf32, #tpu.memory_space<vmem>>, vector<24x336xf32>
    %dot_general3A_295 = arith.constant dense<0.000000e+00> : vector<24x24xf32>
    %dot_general3A_296 = tpu.matmul %get3A_294, %slice3A_291, %dot_general3A_295 {dimension_numbers = #tpu.dot_dimension_numbers<[1], [0], [0], [1], [0, 0, 1, 1], [], []>, transpose_lhs_hint = false} : vector<24x336xf32>, vector<336x24xf32>, vector<24x24xf32> -> vector<24x24xf32>
    %gt3A_297 = arith.constant 0.000000e+00 : f32
    %gt3A_298 = vector.broadcast %gt3A_297 : f32 to vector<24x24xf32>
    %gt3A_299 = arith.cmpf ogt, %dot_general3A_296, %gt3A_298 : vector<24x24xf32>
    %convert_element_type3A_300 = arith.extui %gt3A_299 : vector<24x24xi1> to vector<24x24xi32>
    %convert_element_type3A_301 = arith.sitofp %convert_element_type3A_300 : vector<24x24xi32> to vector<24x24xf32>
    %reduce_sum3A_302 = vector.shape_cast %convert_element_type3A_301 : vector<24x24xf32> to vector<1x24x24xf32>
    %reduce_sum3A_303 = arith.constant dense<0.000000e+00> : vector<1xf32>
    %reduce_sum3A_304 = vector.multi_reduction <add>, %reduce_sum3A_302, %reduce_sum3A_303 [1, 2] : vector<1x24x24xf32> to vector<1xf32>
    %reduce_sum3A_305 = vector.shape_cast %reduce_sum3A_304 : vector<1xf32> to vector<1x1x1xf32>
    %reduce_sum3A_306 = vector.extract %reduce_sum3A_305[0, 0, 0] : f32 from vector<1x1x1xf32>
    %add3A_307 = arith.constant 9.99999993E-9 : f32
    %add3A_308 = arith.addf %reduce_sum3A_306, %add3A_307 : f32
    %div3A_309 = arith.constant 1.000000e+00 : f32
    %div3A_310 = arith.divf %div3A_309, %add3A_308 : f32
    %mul3A_311 = vector.broadcast %div3A_310 : f32 to vector<24x24xf32>
    %mul3A_312 = arith.mulf %convert_element_type3A_301, %mul3A_311 : vector<24x24xf32>
    %swap3A_313 = arith.constant 10 : index
    %swap3A_314 = arith.constant 0 : index
    %swap3A_315 = arith.constant 0 : index
    %swap3A_316 = vector.load %arg5[%swap3A_313, %swap3A_314, %swap3A_315] : memref<16x24x24xf32, #tpu.memory_space<vmem>>, vector<1x24x24xf32>
    %swap3A_317 = vector.shape_cast %swap3A_316 : vector<1x24x24xf32> to vector<24x24xf32>
    %swap3A_318 = vector.shape_cast %mul3A_312 : vector<24x24xf32> to vector<1x24x24xf32>
    tpu.vector_store %arg5[%swap3A_313, %swap3A_314, %swap3A_315], %swap3A_318 {strides = array<i32>} : memref<16x24x24xf32, #tpu.memory_space<vmem>>, vector<1x24x24xf32>,
    %slice3A_319 = vector.extract_strided_slice %dot_general3A_234 {offsets = [1008, 0], sizes = [336, 24], strides = [1, 1]} : vector<2688x24xf32> to vector<336x24xf32>
    %get3A_320 = arith.constant 0 : index
    %get3A_321 = arith.constant 0 : index
    %get3A_322 = vector.load %arg3[%get3A_320, %get3A_321] : memref<24x336xf32, #tpu.memory_space<vmem>>, vector<24x336xf32>
    %dot_general3A_323 = arith.constant dense<0.000000e+00> : vector<24x24xf32>
    %dot_general3A_324 = tpu.matmul %get3A_322, %slice3A_319, %dot_general3A_323 {dimension_numbers = #tpu.dot_dimension_numbers<[1], [0], [0], [1], [0, 0, 1, 1], [], []>, transpose_lhs_hint = false} : vector<24x336xf32>, vector<336x24xf32>, vector<24x24xf32> -> vector<24x24xf32>
    %gt3A_325 = arith.constant 0.000000e+00 : f32
    %gt3A_326 = vector.broadcast %gt3A_325 : f32 to vector<24x24xf32>
    %gt3A_327 = arith.cmpf ogt, %dot_general3A_324, %gt3A_326 : vector<24x24xf32>
    %convert_element_type3A_328 = arith.extui %gt3A_327 : vector<24x24xi1> to vector<24x24xi32>
    %convert_element_type3A_329 = arith.sitofp %convert_element_type3A_328 : vector<24x24xi32> to vector<24x24xf32>
    %reduce_sum3A_330 = vector.shape_cast %convert_element_type3A_329 : vector<24x24xf32> to vector<1x24x24xf32>
    %reduce_sum3A_331 = arith.constant dense<0.000000e+00> : vector<1xf32>
    %reduce_sum3A_332 = vector.multi_reduction <add>, %reduce_sum3A_330, %reduce_sum3A_331 [1, 2] : vector<1x24x24xf32> to vector<1xf32>
    %reduce_sum3A_333 = vector.shape_cast %reduce_sum3A_332 : vector<1xf32> to vector<1x1x1xf32>
    %reduce_sum3A_334 = vector.extract %reduce_sum3A_333[0, 0, 0] : f32 from vector<1x1x1xf32>
    %add3A_335 = arith.constant 9.99999993E-9 : f32
    %add3A_336 = arith.addf %reduce_sum3A_334, %add3A_335 : f32
    %div3A_337 = arith.constant 1.000000e+00 : f32
    %div3A_338 = arith.divf %div3A_337, %add3A_336 : f32
    %mul3A_339 = vector.broadcast %div3A_338 : f32 to vector<24x24xf32>
    %mul3A_340 = arith.mulf %convert_element_type3A_329, %mul3A_339 : vector<24x24xf32>
    %swap3A_341 = arith.constant 11 : index
    %swap3A_342 = arith.constant 0 : index
    %swap3A_343 = arith.constant 0 : index
    %swap3A_344 = vector.load %arg5[%swap3A_341, %swap3A_342, %swap3A_343] : memref<16x24x24xf32, #tpu.memory_space<vmem>>, vector<1x24x24xf32>
    %swap3A_345 = vector.shape_cast %swap3A_344 : vector<1x24x24xf32> to vector<24x24xf32>
    %swap3A_346 = vector.shape_cast %mul3A_340 : vector<24x24xf32> to vector<1x24x24xf32>
    tpu.vector_store %arg5[%swap3A_341, %swap3A_342, %swap3A_343], %swap3A_346 {strides = array<i32>} : memref<16x24x24xf32, #tpu.memory_space<vmem>>, vector<1x24x24xf32>,
    %slice3A_347 = vector.extract_strided_slice %dot_general3A_234 {offsets = [1344, 0], sizes = [336, 24], strides = [1, 1]} : vector<2688x24xf32> to vector<336x24xf32>
    %get3A_348 = arith.constant 0 : index
    %get3A_349 = arith.constant 0 : index
    %get3A_350 = vector.load %arg3[%get3A_348, %get3A_349] : memref<24x336xf32, #tpu.memory_space<vmem>>, vector<24x336xf32>
    %dot_general3A_351 = arith.constant dense<0.000000e+00> : vector<24x24xf32>
    %dot_general3A_352 = tpu.matmul %get3A_350, %slice3A_347, %dot_general3A_351 {dimension_numbers = #tpu.dot_dimension_numbers<[1], [0], [0], [1], [0, 0, 1, 1], [], []>, transpose_lhs_hint = false} : vector<24x336xf32>, vector<336x24xf32>, vector<24x24xf32> -> vector<24x24xf32>
    %gt3A_353 = arith.constant 0.000000e+00 : f32
    %gt3A_354 = vector.broadcast %gt3A_353 : f32 to vector<24x24xf32>
    %gt3A_355 = arith.cmpf ogt, %dot_general3A_352, %gt3A_354 : vector<24x24xf32>
    %convert_element_type3A_356 = arith.extui %gt3A_355 : vector<24x24xi1> to vector<24x24xi32>
    %convert_element_type3A_357 = arith.sitofp %convert_element_type3A_356 : vector<24x24xi32> to vector<24x24xf32>
    %reduce_sum3A_358 = vector.shape_cast %convert_element_type3A_357 : vector<24x24xf32> to vector<1x24x24xf32>
    %reduce_sum3A_359 = arith.constant dense<0.000000e+00> : vector<1xf32>
    %reduce_sum3A_360 = vector.multi_reduction <add>, %reduce_sum3A_358, %reduce_sum3A_359 [1, 2] : vector<1x24x24xf32> to vector<1xf32>
    %reduce_sum3A_361 = vector.shape_cast %reduce_sum3A_360 : vector<1xf32> to vector<1x1x1xf32>
    %reduce_sum3A_362 = vector.extract %reduce_sum3A_361[0, 0, 0] : f32 from vector<1x1x1xf32>
    %add3A_363 = arith.constant 9.99999993E-9 : f32
    %add3A_364 = arith.addf %reduce_sum3A_362, %add3A_363 : f32
    %div3A_365 = arith.constant 1.000000e+00 : f32
    %div3A_366 = arith.divf %div3A_365, %add3A_364 : f32
    %mul3A_367 = vector.broadcast %div3A_366 : f32 to vector<24x24xf32>
    %mul3A_368 = arith.mulf %convert_element_type3A_357, %mul3A_367 : vector<24x24xf32>
    %swap3A_369 = arith.constant 12 : index
    %swap3A_370 = arith.constant 0 : index
    %swap3A_371 = arith.constant 0 : index
    %swap3A_372 = vector.load %arg5[%swap3A_369, %swap3A_370, %swap3A_371] : memref<16x24x24xf32, #tpu.memory_space<vmem>>, vector<1x24x24xf32>
    %swap3A_373 = vector.shape_cast %swap3A_372 : vector<1x24x24xf32> to vector<24x24xf32>
    %swap3A_374 = vector.shape_cast %mul3A_368 : vector<24x24xf32> to vector<1x24x24xf32>
    tpu.vector_store %arg5[%swap3A_369, %swap3A_370, %swap3A_371], %swap3A_374 {strides = array<i32>} : memref<16x24x24xf32, #tpu.memory_space<vmem>>, vector<1x24x24xf32>,
    %slice3A_375 = vector.extract_strided_slice %dot_general3A_234 {offsets = [1680, 0], sizes = [336, 24], strides = [1, 1]} : vector<2688x24xf32> to vector<336x24xf32>
    %get3A_376 = arith.constant 0 : index
    %get3A_377 = arith.constant 0 : index
    %get3A_378 = vector.load %arg3[%get3A_376, %get3A_377] : memref<24x336xf32, #tpu.memory_space<vmem>>, vector<24x336xf32>
    %dot_general3A_379 = arith.constant dense<0.000000e+00> : vector<24x24xf32>
    %dot_general3A_380 = tpu.matmul %get3A_378, %slice3A_375, %dot_general3A_379 {dimension_numbers = #tpu.dot_dimension_numbers<[1], [0], [0], [1], [0, 0, 1, 1], [], []>, transpose_lhs_hint = false} : vector<24x336xf32>, vector<336x24xf32>, vector<24x24xf32> -> vector<24x24xf32>
    %gt3A_381 = arith.constant 0.000000e+00 : f32
    %gt3A_382 = vector.broadcast %gt3A_381 : f32 to vector<24x24xf32>
    %gt3A_383 = arith.cmpf ogt, %dot_general3A_380, %gt3A_382 : vector<24x24xf32>
    %convert_element_type3A_384 = arith.extui %gt3A_383 : vector<24x24xi1> to vector<24x24xi32>
    %convert_element_type3A_385 = arith.sitofp %convert_element_type3A_384 : vector<24x24xi32> to vector<24x24xf32>
    %reduce_sum3A_386 = vector.shape_cast %convert_element_type3A_385 : vector<24x24xf32> to vector<1x24x24xf32>
    %reduce_sum3A_387 = arith.constant dense<0.000000e+00> : vector<1xf32>
    %reduce_sum3A_388 = vector.multi_reduction <add>, %reduce_sum3A_386, %reduce_sum3A_387 [1, 2] : vector<1x24x24xf32> to vector<1xf32>
    %reduce_sum3A_389 = vector.shape_cast %reduce_sum3A_388 : vector<1xf32> to vector<1x1x1xf32>
    %reduce_sum3A_390 = vector.extract %reduce_sum3A_389[0, 0, 0] : f32 from vector<1x1x1xf32>
    %add3A_391 = arith.constant 9.99999993E-9 : f32
    %add3A_392 = arith.addf %reduce_sum3A_390, %add3A_391 : f32
    %div3A_393 = arith.constant 1.000000e+00 : f32
    %div3A_394 = arith.divf %div3A_393, %add3A_392 : f32
    %mul3A_395 = vector.broadcast %div3A_394 : f32 to vector<24x24xf32>
    %mul3A_396 = arith.mulf %convert_element_type3A_385, %mul3A_395 : vector<24x24xf32>
    %swap3A_397 = arith.constant 13 : index
    %swap3A_398 = arith.constant 0 : index
    %swap3A_399 = arith.constant 0 : index
    %swap3A_400 = vector.load %arg5[%swap3A_397, %swap3A_398, %swap3A_399] : memref<16x24x24xf32, #tpu.memory_space<vmem>>, vector<1x24x24xf32>
    %swap3A_401 = vector.shape_cast %swap3A_400 : vector<1x24x24xf32> to vector<24x24xf32>
    %swap3A_402 = vector.shape_cast %mul3A_396 : vector<24x24xf32> to vector<1x24x24xf32>
    tpu.vector_store %arg5[%swap3A_397, %swap3A_398, %swap3A_399], %swap3A_402 {strides = array<i32>} : memref<16x24x24xf32, #tpu.memory_space<vmem>>, vector<1x24x24xf32>,
    %slice3A_403 = vector.extract_strided_slice %dot_general3A_234 {offsets = [2016, 0], sizes = [336, 24], strides = [1, 1]} : vector<2688x24xf32> to vector<336x24xf32>
    %get3A_404 = arith.constant 0 : index
    %get3A_405 = arith.constant 0 : index
    %get3A_406 = vector.load %arg3[%get3A_404, %get3A_405] : memref<24x336xf32, #tpu.memory_space<vmem>>, vector<24x336xf32>
    %dot_general3A_407 = arith.constant dense<0.000000e+00> : vector<24x24xf32>
    %dot_general3A_408 = tpu.matmul %get3A_406, %slice3A_403, %dot_general3A_407 {dimension_numbers = #tpu.dot_dimension_numbers<[1], [0], [0], [1], [0, 0, 1, 1], [], []>, transpose_lhs_hint = false} : vector<24x336xf32>, vector<336x24xf32>, vector<24x24xf32> -> vector<24x24xf32>
    %gt3A_409 = arith.constant 0.000000e+00 : f32
    %gt3A_410 = vector.broadcast %gt3A_409 : f32 to vector<24x24xf32>
    %gt3A_411 = arith.cmpf ogt, %dot_general3A_408, %gt3A_410 : vector<24x24xf32>
    %convert_element_type3A_412 = arith.extui %gt3A_411 : vector<24x24xi1> to vector<24x24xi32>
    %convert_element_type3A_413 = arith.sitofp %convert_element_type3A_412 : vector<24x24xi32> to vector<24x24xf32>
    %reduce_sum3A_414 = vector.shape_cast %convert_element_type3A_413 : vector<24x24xf32> to vector<1x24x24xf32>
    %reduce_sum3A_415 = arith.constant dense<0.000000e+00> : vector<1xf32>
    %reduce_sum3A_416 = vector.multi_reduction <add>, %reduce_sum3A_414, %reduce_sum3A_415 [1, 2] : vector<1x24x24xf32> to vector<1xf32>
    %reduce_sum3A_417 = vector.shape_cast %reduce_sum3A_416 : vector<1xf32> to vector<1x1x1xf32>
    %reduce_sum3A_418 = vector.extract %reduce_sum3A_417[0, 0, 0] : f32 from vector<1x1x1xf32>
    %add3A_419 = arith.constant 9.99999993E-9 : f32
    %add3A_420 = arith.addf %reduce_sum3A_418, %add3A_419 : f32
    %div3A_421 = arith.constant 1.000000e+00 : f32
    %div3A_422 = arith.divf %div3A_421, %add3A_420 : f32
    %mul3A_423 = vector.broadcast %div3A_422 : f32 to vector<24x24xf32>
    %mul3A_424 = arith.mulf %convert_element_type3A_413, %mul3A_423 : vector<24x24xf32>
    %swap3A_425 = arith.constant 14 : index
    %swap3A_426 = arith.constant 0 : index
    %swap3A_427 = arith.constant 0 : index
    %swap3A_428 = vector.load %arg5[%swap3A_425, %swap3A_426, %swap3A_427] : memref<16x24x24xf32, #tpu.memory_space<vmem>>, vector<1x24x24xf32>
    %swap3A_429 = vector.shape_cast %swap3A_428 : vector<1x24x24xf32> to vector<24x24xf32>
    %swap3A_430 = vector.shape_cast %mul3A_424 : vector<24x24xf32> to vector<1x24x24xf32>
    tpu.vector_store %arg5[%swap3A_425, %swap3A_426, %swap3A_427], %swap3A_430 {strides = array<i32>} : memref<16x24x24xf32, #tpu.memory_space<vmem>>, vector<1x24x24xf32>,
    %slice3A_431 = vector.extract_strided_slice %dot_general3A_234 {offsets = [2352, 0], sizes = [336, 24], strides = [1, 1]} : vector<2688x24xf32> to vector<336x24xf32>
    %get3A_432 = arith.constant 0 : index
    %get3A_433 = arith.constant 0 : index
    %get3A_434 = vector.load %arg3[%get3A_432, %get3A_433] : memref<24x336xf32, #tpu.memory_space<vmem>>, vector<24x336xf32>
    %dot_general3A_435 = arith.constant dense<0.000000e+00> : vector<24x24xf32>
    %dot_general3A_436 = tpu.matmul %get3A_434, %slice3A_431, %dot_general3A_435 {dimension_numbers = #tpu.dot_dimension_numbers<[1], [0], [0], [1], [0, 0, 1, 1], [], []>, transpose_lhs_hint = false} : vector<24x336xf32>, vector<336x24xf32>, vector<24x24xf32> -> vector<24x24xf32>
    %gt3A_437 = arith.constant 0.000000e+00 : f32
    %gt3A_438 = vector.broadcast %gt3A_437 : f32 to vector<24x24xf32>
    %gt3A_439 = arith.cmpf ogt, %dot_general3A_436, %gt3A_438 : vector<24x24xf32>
    %convert_element_type3A_440 = arith.extui %gt3A_439 : vector<24x24xi1> to vector<24x24xi32>
    %convert_element_type3A_441 = arith.sitofp %convert_element_type3A_440 : vector<24x24xi32> to vector<24x24xf32>
    %reduce_sum3A_442 = vector.shape_cast %convert_element_type3A_441 : vector<24x24xf32> to vector<1x24x24xf32>
    %reduce_sum3A_443 = arith.constant dense<0.000000e+00> : vector<1xf32>
    %reduce_sum3A_444 = vector.multi_reduction <add>, %reduce_sum3A_442, %reduce_sum3A_443 [1, 2] : vector<1x24x24xf32> to vector<1xf32>
    %reduce_sum3A_445 = vector.shape_cast %reduce_sum3A_444 : vector<1xf32> to vector<1x1x1xf32>
    %reduce_sum3A_446 = vector.extract %reduce_sum3A_445[0, 0, 0] : f32 from vector<1x1x1xf32>
    %add3A_447 = arith.constant 9.99999993E-9 : f32
    %add3A_448 = arith.addf %reduce_sum3A_446, %add3A_447 : f32
    %div3A_449 = arith.constant 1.000000e+00 : f32
    %div3A_450 = arith.divf %div3A_449, %add3A_448 : f32
    %mul3A_451 = vector.broadcast %div3A_450 : f32 to vector<24x24xf32>
    %mul3A_452 = arith.mulf %convert_element_type3A_441, %mul3A_451 : vector<24x24xf32>
    %swap3A_453 = arith.constant 15 : index
    %swap3A_454 = arith.constant 0 : index
    %swap3A_455 = arith.constant 0 : index
    %swap3A_456 = vector.load %arg5[%swap3A_453, %swap3A_454, %swap3A_455] : memref<16x24x24xf32, #tpu.memory_space<vmem>>, vector<1x24x24xf32>
    %swap3A_457 = vector.shape_cast %swap3A_456 : vector<1x24x24xf32> to vector<24x24xf32>
    %swap3A_458 = vector.shape_cast %mul3A_452 : vector<24x24xf32> to vector<1x24x24xf32>
    tpu.vector_store %arg5[%swap3A_453, %swap3A_454, %swap3A_455], %swap3A_458 {strides = array<i32>} : memref<16x24x24xf32, #tpu.memory_space<vmem>>, vector<1x24x24xf32>,
    return
  }
  func.func @transform_0(%arg0: i32) -> (i32, i32, i32) {
    %mul3A = arith.constant 2 : i32
    %mul3A_0 = arith.muli %mul3A, %arg0 : i32
    %c0_i32 = arith.constant 0 : i32
    %c0_i32_1 = arith.constant 0 : i32
    %c0_i32_2 = arith.constant 0 : i32
    return %mul3A_0, %c0_i32, %c0_i32_1 : i32, i32, i32
  }
  func.func @transform_1(%arg0: i32) -> (i32, i32, i32) {
    %mul3A = arith.constant 2 : i32
    %mul3A_0 = arith.muli %mul3A, %arg0 : i32
    %add3A = arith.constant 1 : i32
    %add3A_1 = arith.addi %mul3A_0, %add3A : i32
    %c0_i32 = arith.constant 0 : i32
    %c0_i32_2 = arith.constant 0 : i32
    %c0_i32_3 = arith.constant 0 : i32
    return %add3A_1, %c0_i32, %c0_i32_2 : i32, i32, i32
  }
  func.func @transform_2(%arg0: i32) -> (i32, i32) {
    %c0_i32 = arith.constant 0 : i32
    %c0_i32_0 = arith.constant 0 : i32
    %c0_i32_1 = arith.constant 0 : i32
    return %c0_i32, %c0_i32_0 : i32, i32
  }
  func.func @transform_3(%arg0: i32) -> (i32, i32) {
    %c0_i32 = arith.constant 0 : i32
    %c0_i32_0 = arith.constant 0 : i32
    %c0_i32_1 = arith.constant 0 : i32
    return %c0_i32, %c0_i32_0 : i32, i32
  }
  func.func @transform_4(%arg0: i32) -> (i32, i32, i32) {
    %c0_i32 = arith.constant 0 : i32
    %c0_i32_0 = arith.constant 0 : i32
    %c0_i32_1 = arith.constant 0 : i32
    return %arg0, %c0_i32, %c0_i32_0 : i32, i32, i32
  }
}

module attributes {stable_mosaic.version = 14 : i64} {
  func.func @_pool_body(%arg0: i32, %arg1: memref<96xi32, #tpu.memory_space<smem>>, %arg2: memref<4x1x576xf32, #tpu.memory_space<vmem>>, %arg3: memref<1x576x1024xf32, #tpu.memory_space<vmem>>, %arg4: memref<1x576x1024xf32, #tpu.memory_space<vmem>>, %arg5: memref<1x576x1024xf32, #tpu.memory_space<vmem>>, %arg6: memref<1x576x1024xf32, #tpu.memory_space<vmem>>, %arg7: memref<4x1x1024xf32, #tpu.memory_space<vmem>>) attributes {dimension_semantics = [#tpu.dimension_semantics<arbitrary>], iteration_bounds = array<i64: 24>, scalar_prefetch = 1 : i64, scratch_operands = 0 : i64, tpu.core_type = #tpu.core_type<tc>, window_params = [{transform_indices = @transform_0, window_bounds = array<i64: 4, 1, 576>}, {transform_indices = @transform_1, window_bounds = array<i64: 1, 576, 1024>}, {transform_indices = @transform_2, window_bounds = array<i64: 1, 576, 1024>}, {transform_indices = @transform_3, window_bounds = array<i64: 1, 576, 1024>}, {transform_indices = @transform_4, window_bounds = array<i64: 1, 576, 1024>}, {transform_indices = @transform_5, window_bounds = array<i64: 4, 1, 1024>}]} {
    %get3A = arith.constant 0 : index
    %get3A_0 = arith.constant 0 : index
    %get3A_1 = arith.constant 0 : index
    %get3A_2 = vector.load %arg2[%get3A, %get3A_0, %get3A_1] : memref<4x1x576xf32, #tpu.memory_space<vmem>>, vector<1x1x576xf32>
    %get3A_3 = vector.shape_cast %get3A_2 : vector<1x1x576xf32> to vector<1x576xf32>
    %get3A_4 = arith.constant 0 : index
    %get3A_5 = arith.constant 0 : index
    %get3A_6 = arith.constant 0 : index
    %get3A_7 = vector.load %arg3[%get3A_4, %get3A_5, %get3A_6] : memref<1x576x1024xf32, #tpu.memory_space<vmem>>, vector<1x576x1024xf32>
    %get3A_8 = vector.shape_cast %get3A_7 : vector<1x576x1024xf32> to vector<576x1024xf32>
    %dot_general3A = arith.constant dense<0.000000e+00> : vector<1x1024xf32>
    %dot_general3A_9 = tpu.matmul %get3A_3, %get3A_8, %dot_general3A {dimension_numbers = #tpu.dot_dimension_numbers<[1], [0], [0], [1], [0, 0, 1, 1], [], []>, transpose_lhs_hint = false} : vector<1x576xf32>, vector<576x1024xf32>, vector<1x1024xf32> -> vector<1x1024xf32>
    %swap3A = arith.constant 0 : index
    %swap3A_10 = arith.constant 0 : index
    %swap3A_11 = arith.constant 0 : index
    %swap3A_12 = vector.load %arg7[%swap3A, %swap3A_10, %swap3A_11] : memref<4x1x1024xf32, #tpu.memory_space<vmem>>, vector<1x1x1024xf32>
    %swap3A_13 = vector.shape_cast %swap3A_12 : vector<1x1x1024xf32> to vector<1x1024xf32>
    %swap3A_14 = vector.shape_cast %dot_general3A_9 : vector<1x1024xf32> to vector<1x1x1024xf32>
    tpu.vector_store %arg7[%swap3A, %swap3A_10, %swap3A_11], %swap3A_14 {strides = array<i32>} : memref<4x1x1024xf32, #tpu.memory_space<vmem>>, vector<1x1x1024xf32>,
    %get3A_15 = arith.constant 1 : index
    %get3A_16 = arith.constant 0 : index
    %get3A_17 = arith.constant 0 : index
    %get3A_18 = vector.load %arg2[%get3A_15, %get3A_16, %get3A_17] : memref<4x1x576xf32, #tpu.memory_space<vmem>>, vector<1x1x576xf32>
    %get3A_19 = vector.shape_cast %get3A_18 : vector<1x1x576xf32> to vector<1x576xf32>
    %get3A_20 = arith.constant 0 : index
    %get3A_21 = arith.constant 0 : index
    %get3A_22 = arith.constant 0 : index
    %get3A_23 = vector.load %arg4[%get3A_20, %get3A_21, %get3A_22] : memref<1x576x1024xf32, #tpu.memory_space<vmem>>, vector<1x576x1024xf32>
    %get3A_24 = vector.shape_cast %get3A_23 : vector<1x576x1024xf32> to vector<576x1024xf32>
    %dot_general3A_25 = arith.constant dense<0.000000e+00> : vector<1x1024xf32>
    %dot_general3A_26 = tpu.matmul %get3A_19, %get3A_24, %dot_general3A_25 {dimension_numbers = #tpu.dot_dimension_numbers<[1], [0], [0], [1], [0, 0, 1, 1], [], []>, transpose_lhs_hint = false} : vector<1x576xf32>, vector<576x1024xf32>, vector<1x1024xf32> -> vector<1x1024xf32>
    %swap3A_27 = arith.constant 1 : index
    %swap3A_28 = arith.constant 0 : index
    %swap3A_29 = arith.constant 0 : index
    %swap3A_30 = vector.load %arg7[%swap3A_27, %swap3A_28, %swap3A_29] : memref<4x1x1024xf32, #tpu.memory_space<vmem>>, vector<1x1x1024xf32>
    %swap3A_31 = vector.shape_cast %swap3A_30 : vector<1x1x1024xf32> to vector<1x1024xf32>
    %swap3A_32 = vector.shape_cast %dot_general3A_26 : vector<1x1024xf32> to vector<1x1x1024xf32>
    tpu.vector_store %arg7[%swap3A_27, %swap3A_28, %swap3A_29], %swap3A_32 {strides = array<i32>} : memref<4x1x1024xf32, #tpu.memory_space<vmem>>, vector<1x1x1024xf32>,
    %get3A_33 = arith.constant 2 : index
    %get3A_34 = arith.constant 0 : index
    %get3A_35 = arith.constant 0 : index
    %get3A_36 = vector.load %arg2[%get3A_33, %get3A_34, %get3A_35] : memref<4x1x576xf32, #tpu.memory_space<vmem>>, vector<1x1x576xf32>
    %get3A_37 = vector.shape_cast %get3A_36 : vector<1x1x576xf32> to vector<1x576xf32>
    %get3A_38 = arith.constant 0 : index
    %get3A_39 = arith.constant 0 : index
    %get3A_40 = arith.constant 0 : index
    %get3A_41 = vector.load %arg5[%get3A_38, %get3A_39, %get3A_40] : memref<1x576x1024xf32, #tpu.memory_space<vmem>>, vector<1x576x1024xf32>
    %get3A_42 = vector.shape_cast %get3A_41 : vector<1x576x1024xf32> to vector<576x1024xf32>
    %dot_general3A_43 = arith.constant dense<0.000000e+00> : vector<1x1024xf32>
    %dot_general3A_44 = tpu.matmul %get3A_37, %get3A_42, %dot_general3A_43 {dimension_numbers = #tpu.dot_dimension_numbers<[1], [0], [0], [1], [0, 0, 1, 1], [], []>, transpose_lhs_hint = false} : vector<1x576xf32>, vector<576x1024xf32>, vector<1x1024xf32> -> vector<1x1024xf32>
    %swap3A_45 = arith.constant 2 : index
    %swap3A_46 = arith.constant 0 : index
    %swap3A_47 = arith.constant 0 : index
    %swap3A_48 = vector.load %arg7[%swap3A_45, %swap3A_46, %swap3A_47] : memref<4x1x1024xf32, #tpu.memory_space<vmem>>, vector<1x1x1024xf32>
    %swap3A_49 = vector.shape_cast %swap3A_48 : vector<1x1x1024xf32> to vector<1x1024xf32>
    %swap3A_50 = vector.shape_cast %dot_general3A_44 : vector<1x1024xf32> to vector<1x1x1024xf32>
    tpu.vector_store %arg7[%swap3A_45, %swap3A_46, %swap3A_47], %swap3A_50 {strides = array<i32>} : memref<4x1x1024xf32, #tpu.memory_space<vmem>>, vector<1x1x1024xf32>,
    %get3A_51 = arith.constant 3 : index
    %get3A_52 = arith.constant 0 : index
    %get3A_53 = arith.constant 0 : index
    %get3A_54 = vector.load %arg2[%get3A_51, %get3A_52, %get3A_53] : memref<4x1x576xf32, #tpu.memory_space<vmem>>, vector<1x1x576xf32>
    %get3A_55 = vector.shape_cast %get3A_54 : vector<1x1x576xf32> to vector<1x576xf32>
    %get3A_56 = arith.constant 0 : index
    %get3A_57 = arith.constant 0 : index
    %get3A_58 = arith.constant 0 : index
    %get3A_59 = vector.load %arg6[%get3A_56, %get3A_57, %get3A_58] : memref<1x576x1024xf32, #tpu.memory_space<vmem>>, vector<1x576x1024xf32>
    %get3A_60 = vector.shape_cast %get3A_59 : vector<1x576x1024xf32> to vector<576x1024xf32>
    %dot_general3A_61 = arith.constant dense<0.000000e+00> : vector<1x1024xf32>
    %dot_general3A_62 = tpu.matmul %get3A_55, %get3A_60, %dot_general3A_61 {dimension_numbers = #tpu.dot_dimension_numbers<[1], [0], [0], [1], [0, 0, 1, 1], [], []>, transpose_lhs_hint = false} : vector<1x576xf32>, vector<576x1024xf32>, vector<1x1024xf32> -> vector<1x1024xf32>
    %swap3A_63 = arith.constant 3 : index
    %swap3A_64 = arith.constant 0 : index
    %swap3A_65 = arith.constant 0 : index
    %swap3A_66 = vector.load %arg7[%swap3A_63, %swap3A_64, %swap3A_65] : memref<4x1x1024xf32, #tpu.memory_space<vmem>>, vector<1x1x1024xf32>
    %swap3A_67 = vector.shape_cast %swap3A_66 : vector<1x1x1024xf32> to vector<1x1024xf32>
    %swap3A_68 = vector.shape_cast %dot_general3A_62 : vector<1x1024xf32> to vector<1x1x1024xf32>
    tpu.vector_store %arg7[%swap3A_63, %swap3A_64, %swap3A_65], %swap3A_68 {strides = array<i32>} : memref<4x1x1024xf32, #tpu.memory_space<vmem>>, vector<1x1x1024xf32>,
    return
  }
  func.func @transform_0(%arg0: i32, %arg1: memref<96xi32, #tpu.memory_space<smem>>) -> (i32, i32, i32) {
    %c0_i32 = arith.constant 0 : i32
    %c0_i32_0 = arith.constant 0 : i32
    %c0_i32_1 = arith.constant 0 : i32
    return %arg0, %c0_i32, %c0_i32_0 : i32, i32, i32
  }
  func.func @transform_1(%arg0: i32, %arg1: memref<96xi32, #tpu.memory_space<smem>>) -> (i32, i32, i32) {
    %mul3A = arith.constant 4 : i32
    %mul3A_0 = arith.muli %mul3A, %arg0 : i32
    %add3A = arith.constant 0 : i32
    %add3A_1 = arith.addi %mul3A_0, %add3A : i32
    %get3A = arith.index_cast %add3A_1 : i32 to index
    %get3A_2 = memref.load %arg1[%get3A] : memref<96xi32, #tpu.memory_space<smem>>
    %c0_i32 = arith.constant 0 : i32
    %c0_i32_3 = arith.constant 0 : i32
    %c0_i32_4 = arith.constant 0 : i32
    return %get3A_2, %c0_i32, %c0_i32_3 : i32, i32, i32
  }
  func.func @transform_2(%arg0: i32, %arg1: memref<96xi32, #tpu.memory_space<smem>>) -> (i32, i32, i32) {
    %mul3A = arith.constant 4 : i32
    %mul3A_0 = arith.muli %mul3A, %arg0 : i32
    %add3A = arith.constant 1 : i32
    %add3A_1 = arith.addi %mul3A_0, %add3A : i32
    %get3A = arith.index_cast %add3A_1 : i32 to index
    %get3A_2 = memref.load %arg1[%get3A] : memref<96xi32, #tpu.memory_space<smem>>
    %c0_i32 = arith.constant 0 : i32
    %c0_i32_3 = arith.constant 0 : i32
    %c0_i32_4 = arith.constant 0 : i32
    return %get3A_2, %c0_i32, %c0_i32_3 : i32, i32, i32
  }
  func.func @transform_3(%arg0: i32, %arg1: memref<96xi32, #tpu.memory_space<smem>>) -> (i32, i32, i32) {
    %mul3A = arith.constant 4 : i32
    %mul3A_0 = arith.muli %mul3A, %arg0 : i32
    %add3A = arith.constant 2 : i32
    %add3A_1 = arith.addi %mul3A_0, %add3A : i32
    %get3A = arith.index_cast %add3A_1 : i32 to index
    %get3A_2 = memref.load %arg1[%get3A] : memref<96xi32, #tpu.memory_space<smem>>
    %c0_i32 = arith.constant 0 : i32
    %c0_i32_3 = arith.constant 0 : i32
    %c0_i32_4 = arith.constant 0 : i32
    return %get3A_2, %c0_i32, %c0_i32_3 : i32, i32, i32
  }
  func.func @transform_4(%arg0: i32, %arg1: memref<96xi32, #tpu.memory_space<smem>>) -> (i32, i32, i32) {
    %mul3A = arith.constant 4 : i32
    %mul3A_0 = arith.muli %mul3A, %arg0 : i32
    %add3A = arith.constant 3 : i32
    %add3A_1 = arith.addi %mul3A_0, %add3A : i32
    %get3A = arith.index_cast %add3A_1 : i32 to index
    %get3A_2 = memref.load %arg1[%get3A] : memref<96xi32, #tpu.memory_space<smem>>
    %c0_i32 = arith.constant 0 : i32
    %c0_i32_3 = arith.constant 0 : i32
    %c0_i32_4 = arith.constant 0 : i32
    return %get3A_2, %c0_i32, %c0_i32_3 : i32, i32, i32
  }
  func.func @transform_5(%arg0: i32, %arg1: memref<96xi32, #tpu.memory_space<smem>>) -> (i32, i32, i32) {
    %c0_i32 = arith.constant 0 : i32
    %c0_i32_0 = arith.constant 0 : i32
    %c0_i32_1 = arith.constant 0 : i32
    return %arg0, %c0_i32, %c0_i32_0 : i32, i32, i32
  }
}

module attributes {stable_mosaic.version = 14 : i64} {
  func.func @_mlp1_body(%arg0: memref<128x1024xf32, #tpu.memory_space<vmem>>, %arg1: memref<4096x1024xf32, #tpu.memory_space<vmem>>, %arg2: memref<1x4096xf32, #tpu.memory_space<vmem>>, %arg3: memref<128x4096xf32, #tpu.memory_space<vmem>>) attributes {dimension_semantics = [], scalar_prefetch = 0 : i64, scratch_operands = 0 : i64, tpu.core_type = #tpu.core_type<tc>} {
    %get3A = arith.constant 0 : index
    %get3A_0 = arith.constant 0 : index
    %get3A_1 = vector.load %arg0[%get3A, %get3A_0] : memref<128x1024xf32, #tpu.memory_space<vmem>>, vector<128x1024xf32>
    %get3A_2 = arith.constant 0 : index
    %get3A_3 = arith.constant 0 : index
    %get3A_4 = vector.load %arg1[%get3A_2, %get3A_3] : memref<4096x1024xf32, #tpu.memory_space<vmem>>, vector<4096x1024xf32>
    %dot_general3A = arith.constant dense<0.000000e+00> : vector<128x4096xf32>
    %dot_general3A_5 = tpu.matmul %get3A_1, %get3A_4, %dot_general3A {dimension_numbers = #tpu.dot_dimension_numbers<[1], [1], [0], [0], [0, 0, 1, 0], [], []>, transpose_lhs_hint = false} : vector<128x1024xf32>, vector<4096x1024xf32>, vector<128x4096xf32> -> vector<128x4096xf32>
    %get3A_6 = arith.constant 0 : index
    %get3A_7 = arith.constant 0 : index
    %get3A_8 = vector.load %arg2[%get3A_6, %get3A_7] : memref<1x4096xf32, #tpu.memory_space<vmem>>, vector<1x4096xf32>
    %add3A = vector.broadcast %get3A_8 : vector<1x4096xf32> to vector<128x4096xf32>
    %add3A_9 = arith.addf %dot_general3A_5, %add3A : vector<128x4096xf32>
    %mul3A = arith.constant 5.000000e-01 : f32
    %mul3A_10 = vector.broadcast %mul3A : f32 to vector<128x4096xf32>
    %mul3A_11 = arith.mulf %mul3A_10, %add3A_9 : vector<128x4096xf32>
    %mul3A_12 = arith.constant 0.707106769 : f32
    %mul3A_13 = vector.broadcast %mul3A_12 : f32 to vector<128x4096xf32>
    %mul3A_14 = arith.mulf %add3A_9, %mul3A_13 : vector<128x4096xf32>
    %erf3A = math.erf %mul3A_14 : vector<128x4096xf32>
    %add3A_15 = arith.constant 1.000000e+00 : f32
    %add3A_16 = vector.broadcast %add3A_15 : f32 to vector<128x4096xf32>
    %add3A_17 = arith.addf %add3A_16, %erf3A : vector<128x4096xf32>
    %mul3A_18 = arith.mulf %mul3A_11, %add3A_17 : vector<128x4096xf32>
    %swap3A = arith.constant 0 : index
    %swap3A_19 = arith.constant 0 : index
    %swap3A_20 = vector.load %arg3[%swap3A, %swap3A_19] : memref<128x4096xf32, #tpu.memory_space<vmem>>, vector<128x4096xf32>
    tpu.vector_store %arg3[%swap3A, %swap3A_19], %mul3A_18 {strides = array<i32>} : memref<128x4096xf32, #tpu.memory_space<vmem>>, vector<128x4096xf32>,
    return
  }
}

module attributes {stable_mosaic.version = 14 : i64} {
  func.func @_mlp2_body(%arg0: i32, %arg1: memref<128x4096xf32, #tpu.memory_space<vmem>>, %arg2: memref<256x4096xf32, #tpu.memory_space<vmem>>, %arg3: memref<256x4096xf32, #tpu.memory_space<vmem>>, %arg4: memref<1x512xf32, #tpu.memory_space<vmem>>, %arg5: memref<128x512xf32, #tpu.memory_space<vmem>>) attributes {dimension_semantics = [#tpu.dimension_semantics<arbitrary>], iteration_bounds = array<i64: 8>, scalar_prefetch = 0 : i64, scratch_operands = 0 : i64, tpu.core_type = #tpu.core_type<tc>, window_params = [{pipeline_mode = #tpu.pipeline_mode<synchronous>, transform_indices = @transform_0, window_bounds = array<i64: 128, 4096>}, {transform_indices = @transform_1, window_bounds = array<i64: 256, 4096>}, {transform_indices = @transform_2, window_bounds = array<i64: 256, 4096>}, {transform_indices = @transform_3, window_bounds = array<i64: 1, 512>}, {transform_indices = @transform_4, window_bounds = array<i64: 128, 512>}]} {
    %get3A = arith.constant 0 : index
    %get3A_0 = arith.constant 0 : index
    %get3A_1 = vector.load %arg1[%get3A, %get3A_0] : memref<128x4096xf32, #tpu.memory_space<vmem>>, vector<128x4096xf32>
    %get3A_2 = arith.constant 0 : index
    %get3A_3 = arith.constant 0 : index
    %get3A_4 = vector.load %arg2[%get3A_2, %get3A_3] : memref<256x4096xf32, #tpu.memory_space<vmem>>, vector<256x4096xf32>
    %dot_general3A = arith.constant dense<0.000000e+00> : vector<128x256xf32>
    %dot_general3A_5 = tpu.matmul %get3A_1, %get3A_4, %dot_general3A {dimension_numbers = #tpu.dot_dimension_numbers<[1], [1], [0], [0], [0, 0, 1, 0], [], []>, transpose_lhs_hint = false} : vector<128x4096xf32>, vector<256x4096xf32>, vector<128x256xf32> -> vector<128x256xf32>
    %get3A_6 = arith.constant 0 : index
    %get3A_7 = arith.constant 0 : index
    %get3A_8 = vector.load %arg4[%get3A_6, %get3A_7] : memref<1x512xf32, #tpu.memory_space<vmem>>, vector<1x256xf32>
    %add3A = vector.broadcast %get3A_8 : vector<1x256xf32> to vector<128x256xf32>
    %add3A_9 = arith.addf %dot_general3A_5, %add3A : vector<128x256xf32>
    %swap3A = arith.constant 0 : index
    %swap3A_10 = arith.constant 0 : index
    %swap3A_11 = vector.load %arg5[%swap3A, %swap3A_10] : memref<128x512xf32, #tpu.memory_space<vmem>>, vector<128x256xf32>
    tpu.vector_store %arg5[%swap3A, %swap3A_10], %add3A_9 {strides = array<i32>} : memref<128x512xf32, #tpu.memory_space<vmem>>, vector<128x256xf32>,
    %get3A_12 = arith.constant 0 : index
    %get3A_13 = arith.constant 0 : index
    %get3A_14 = vector.load %arg1[%get3A_12, %get3A_13] : memref<128x4096xf32, #tpu.memory_space<vmem>>, vector<128x4096xf32>
    %get3A_15 = arith.constant 0 : index
    %get3A_16 = arith.constant 0 : index
    %get3A_17 = vector.load %arg3[%get3A_15, %get3A_16] : memref<256x4096xf32, #tpu.memory_space<vmem>>, vector<256x4096xf32>
    %dot_general3A_18 = arith.constant dense<0.000000e+00> : vector<128x256xf32>
    %dot_general3A_19 = tpu.matmul %get3A_14, %get3A_17, %dot_general3A_18 {dimension_numbers = #tpu.dot_dimension_numbers<[1], [1], [0], [0], [0, 0, 1, 0], [], []>, transpose_lhs_hint = false} : vector<128x4096xf32>, vector<256x4096xf32>, vector<128x256xf32> -> vector<128x256xf32>
    %get3A_20 = arith.constant 0 : index
    %get3A_21 = arith.constant 256 : index
    %get3A_22 = vector.load %arg4[%get3A_20, %get3A_21] : memref<1x512xf32, #tpu.memory_space<vmem>>, vector<1x256xf32>
    %add3A_23 = vector.broadcast %get3A_22 : vector<1x256xf32> to vector<128x256xf32>
    %add3A_24 = arith.addf %dot_general3A_19, %add3A_23 : vector<128x256xf32>
    %swap3A_25 = arith.constant 0 : index
    %swap3A_26 = arith.constant 256 : index
    %swap3A_27 = vector.load %arg5[%swap3A_25, %swap3A_26] : memref<128x512xf32, #tpu.memory_space<vmem>>, vector<128x256xf32>
    tpu.vector_store %arg5[%swap3A_25, %swap3A_26], %add3A_24 {strides = array<i32>} : memref<128x512xf32, #tpu.memory_space<vmem>>, vector<128x256xf32>,
    return
  }
  func.func @transform_0(%arg0: i32) -> (i32, i32) {
    %c0_i32 = arith.constant 0 : i32
    %c0_i32_0 = arith.constant 0 : i32
    %c0_i32_1 = arith.constant 0 : i32
    return %c0_i32, %c0_i32_0 : i32, i32
  }
  func.func @transform_1(%arg0: i32) -> (i32, i32) {
    %mul3A = arith.constant 2 : i32
    %mul3A_0 = arith.muli %mul3A, %arg0 : i32
    %c0_i32 = arith.constant 0 : i32
    %c0_i32_1 = arith.constant 0 : i32
    return %mul3A_0, %c0_i32 : i32, i32
  }
  func.func @transform_2(%arg0: i32) -> (i32, i32) {
    %mul3A = arith.constant 2 : i32
    %mul3A_0 = arith.muli %mul3A, %arg0 : i32
    %add3A = arith.constant 1 : i32
    %add3A_1 = arith.addi %mul3A_0, %add3A : i32
    %c0_i32 = arith.constant 0 : i32
    %c0_i32_2 = arith.constant 0 : i32
    return %add3A_1, %c0_i32 : i32, i32
  }
  func.func @transform_3(%arg0: i32) -> (i32, i32) {
    %c0_i32 = arith.constant 0 : i32
    %c0_i32_0 = arith.constant 0 : i32
    return %c0_i32, %arg0 : i32, i32
  }
  func.func @transform_4(%arg0: i32) -> (i32, i32) {
    %c0_i32 = arith.constant 0 : i32
    %c0_i32_0 = arith.constant 0 : i32
    return %c0_i32, %arg0 : i32, i32
  }
}

</mosaic_0001>

<sc_bundles>
// kernel: kernel.7.cloned.1.call-start
scs
__scs_entry_jumppad:
0x0: {  	(pc) =	sbr.rel $0x88, $3  }
0x1: {  	(tag) =	ssettag $0x0;
	lr =	simm.s32 $0x1  }
0x2: {  	[smem:$0x3F9A] =	sst lr;
	_ =	strace $0xD0000000  }
0x3: {  	_ = 	snop  }
0x4: {  	_ = 	snop  }
0x5: {  	_ = 	snop  }
0x6: {  	_ = 	snop  }
0x7: {  	_ = 	snop  }
__scs_overlays_trampoline_lowered:
0x8: {  	[smem:$0x3FA9] =	sst s0  }
0x9: {  	[smem:$0x3FAA] =	sst s1  }
0xa: {  	[smem:$0x3FAB] =	sst s2  }
0xb: {  	[smem:$0x3FAC] =	sst s3  }
0xc: {  	[smem:$0x3FAD] =	sst s4  }
0xd: {  	[smem:$0x3FAE] =	sst s5  }
0xe: {  	[smem:$0x3FAF] =	sst s6  }
0xf: {  	[smem:$0x3FB0] =	sst s7  }
0x10: {  	[smem:$0x3FB1] =	sst s8  }
0x11: {  	[smem:$0x3FB2] =	sst s9;
	s0 =	simm.s32 @!p0 $0x0  }
0x12: {  	s1 =	sld [smem:$0x3F98];
	s0 =	simm.s32 @p0 $0x1  }
0x13: {  	[smem:$0x3FB3] =	sst s0;
	s0 =	simm.s32 @!p1 $0x0  }
0x14: {  	s2 =	sld [smem:$0x3F97];
	s0 =	simm.s32 @p1 $0x1  }
0x15: {  	[smem:$0x3FB4] =	sst s0;
	s0 =	simm.s32 @!p2 $0x0  }
0x16: {  	s3 =	sld [smem:$0x3FDB];
	s0 =	simm.s32 @p2 $0x1  }
0x17: {  	s4 =	simm.s32 $0x1BF5;
	[smem:$0x3FB6] =	sst s0  }
0x18: {  	s0 =	sld [smem:$0x3F99];
	_ =	swait.ge [sflag:s4], $0x0  }
0x19: {  	s7 =	sld [smem:$0x3F9A]  }
0x1a: {  	s8 =	sadd.s32 $0xFFFFE003, lr  }
0x1b: {  	s9 =	sadd.s32 $0xFFFFFEF7, lr;
	s5 =	simm.s32 $0xFFFFFFFF;
	p2 =	slt.u32 s8, $0xFFFFF086  }
0x1c: {  	p1 =	slt.u32 s9, $0xF7A;
	s5 =	simm.s32 @!p2 $0x0  }
0x1d: {  	s5 =	simm.s32 @p1 $0x1;
	p0 =	seq.s32 s7, s2  }
0x1e: {  	s7 =	smul.u32 @!p0 $0xF7A, s2;
	p2 =	seq.s32 @!p0 s5, $0x0  }
0x1f: {  	s9 =	smul.u32 $0xF7A, s1;
	s8 =	simm.s32 @!p0 $0x1BF5;
	p2 =	por !p2, p0  }
0x20: {  	[sflag:s8] =	ssyncset.s32 @!p0 $0xFFFFF086;
	s6 =	sadd.s32 @!p0 s3, s7;
	s7 =	simm.s32 @!p0 $0x108  }
0x21: {  	s3 =	sadd.s32 s3, s9;
	s6 =	sadd.s32 @!p0 $0x88, s6;
	s7 =	simm.s32 @p2 $0x1082  }
0x22: {  	[simem:s7], [sflag:s8] =	dma.local @!p0 [hbm:s6], $0xF7A  }
0x23: {  	s9 =	sor.u32 $0xD0000000, s2;
	s6 =	simm.s32 $0x108;
	_ =	swait.ge @!p0 [sflag:s8], $0x0  }
0x24: {  	s3 =	sadd.s32 $0x88, s3;
	s6 =	simm.s32 @!p1 $0x1082;
	[sflag:s4] =	ssyncset.s32 $0xFFFFF086  }
0x25: {  	[simem:s6], [sflag:s4] =	dma.local [hbm:s3], $0xF7A  }
0x26: {  	[smem:$0x3F9A] =	sst s1;
	(tag) =	ssettag s2;
	_ =	strace s9  }
0x27: {  	s1 =	sld [smem:$0x3FAA]  }
0x28: {  	s2 =	sld [smem:$0x3FAB]  }
0x29: {  	s4 =	sld [smem:$0x3FAD]  }
0x2a: {  	p0 =	seq.s32 s5, $0x0;
	s5 =	sld [smem:$0x3FAE]  }
0x2b: {  	s6 =	sld [smem:$0x3FAF]  }
0x2c: {  	s7 =	sld [smem:$0x3FB0]  }
0x2d: {  	s3 =	simm.s32 $0x108;
	s8 =	sld [smem:$0x3FB1]  }
0x2e: {  	s3 =	simm.s32 @!p0 $0x1082;
	s9 =	sld [smem:$0x3FB2]  }
0x2f: {  	lr =	sadd.s32 s0, s3;
	s0 =	sld [smem:$0x3FA9]  }
0x30: {  	s3 =	sld [smem:$0x3FAC]  }
0x31: {  	[smem:$0x3FB5] =	sst s10  }
0x32: {  	s10 =	sld [smem:$0x3FB3];
	_ =	sdelay $0x3  }
0x33: {  	p0 =	seq.s32 s10, $0x1;
	s10 =	sld [smem:$0x3FB5];
	_ =	sdelay $0x3  }
0x34: {  	[smem:$0x3FB5] =	sst s10  }
0x35: {  	s10 =	sld [smem:$0x3FB4];
	_ =	sdelay $0x3  }
0x36: {  	p1 =	seq.s32 s10, $0x1;
	s10 =	sld [smem:$0x3FB5];
	_ =	sdelay $0x3  }
0x37: {  	[smem:$0x3FB5] =	sst s10  }
0x38: {  	s10 =	sld [smem:$0x3FB6]  }
0x39: {  	_ = 	snop;
	(pc) =	sbr.ind lr, $3  }
0x3a: {  	_ = 	snop  }
0x3b: {  	_ = 	snop  }
0x3c: {  	p2 =	seq.s32 s10, $0x1;
	s10 =	sld [smem:$0x3FB5]  }
0x3d: {  	_ =	shalt  }
0x3e: {  	_ =	shalt  }
0x3f: {  	_ =	shalt  }
0x40: {  	_ =	shalt  }
0x41: {  	_ =	shalt  }
0x42: {  	_ =	shalt  }
0x43: {  	_ =	shalt  }
0x44: {  	_ =	shalt  }
0x45: {  	_ =	shalt  }
0x46: {  	_ =	shalt  }
0x47: {  	_ =	shalt  }
0x48: {  	_ =	shalt  }
0x49: {  	_ =	shalt  }
0x4a: {  	_ =	shalt  }
0x4b: {  	_ =	shalt  }
0x4c: {  	_ =	shalt  }
0x4d: {  	_ =	shalt  }
0x4e: {  	_ =	shalt  }
0x4f: {  	_ =	shalt  }
0x50: {  	_ =	shalt  }
0x51: {  	_ =	shalt  }
0x52: {  	_ =	shalt  }
0x53: {  	_ =	shalt  }
0x54: {  	_ =	shalt  }
0x55: {  	_ =	shalt  }
0x56: {  	_ =	shalt  }
0x57: {  	_ =	shalt  }
0x58: {  	_ =	shalt  }
0x59: {  	_ =	shalt  }
0x5a: {  	_ =	shalt  }
0x5b: {  	_ =	shalt  }
0x5c: {  	_ =	shalt  }
0x5d: {  	_ =	shalt  }
0x5e: {  	_ =	shalt  }
0x5f: {  	_ =	shalt  }
0x60: {  	_ =	shalt  }
0x61: {  	_ =	shalt  }
0x62: {  	_ =	shalt  }
0x63: {  	_ =	shalt  }
0x64: {  	_ =	shalt  }
0x65: {  	_ =	shalt  }
0x66: {  	_ =	shalt  }
0x67: {  	_ =	shalt  }
0x68: {  	_ =	shalt  }
0x69: {  	_ =	shalt  }
0x6a: {  	_ =	shalt  }
0x6b: {  	_ =	shalt  }
0x6c: {  	_ =	shalt  }
0x6d: {  	_ =	shalt  }
0x6e: {  	_ =	shalt  }
0x6f: {  	_ =	shalt  }
0x70: {  	_ =	shalt  }
0x71: {  	_ =	shalt  }
0x72: {  	_ =	shalt  }
0x73: {  	_ =	shalt  }
0x74: {  	_ =	shalt  }
0x75: {  	_ =	shalt  }
0x76: {  	_ =	shalt  }
0x77: {  	_ =	shalt  }
0x78: {  	_ =	shalt  }
0x79: {  	_ =	shalt  }
0x7a: {  	_ =	shalt  }
0x7b: {  	_ =	shalt  }
0x7c: {  	_ =	shalt  }
0x7d: {  	_ =	shalt  }
0x7e: {  	_ =	shalt  }
0x7f: {  	_ =	shalt  }
0x80: {  	_ =	shalt  }
0x81: {  	_ =	shalt  }
0x82: {  	_ =	shalt  }
0x83: {  	_ =	shalt  }
0x84: {  	_ =	shalt  }
0x85: {  	_ =	shalt  }
0x86: {  	_ =	shalt  }
0x87: {  	_ =	shalt  }
.Lfunc_end0:
.L_simem_size_0:
called_computation_lowered:
.L_overlay_start_0:
0x88: {  	s2 =	sld [smem:$0x3FD9]  }
0x89: {  	s3 =	sld [smem:$0x3FFE];
	_ =	sdelay $0x1  }
0x8a: {  	s1 =	srdreg.scid  }
0x8b: {  	s0 =	sand.u32 $0x1, s1  }
0x8c: {  	s14 =	sshll.u32 s0, $0xA;
	s2 =	sadd.s32 s3, s2  }
0x8d: {  	s2 =	sadd.s32 s2, s14  }
0x8e: {  	[smem:$0x3FC1] =	sst s2  }
0x8f: {  	_ = 	snop  }
0x90: {  	s2 =	sld [smem:$0x3FD0];
	_ =	sdelay $0x2  }
0x91: {  	s15 =	simm.s32 $0xA;
	s4 =	simm.s32 $0x10  }
0x92: {  	[smem:s4], [sflag:s15] =	dma.local [hbm:s2], $0x1  }
0x93: {  	_ =	swait.eq [sflag:s15], $0x1  }
0x94: {  	[sflag:s15] =	ssyncset.done $0x0  }
0x95: {  	[sflag:s15] =	ssyncadd.s32 $0xFFFFFFFF  }
0x96: {  	s16 =	sld [smem:$0x11];
	(tm) =	ssettm $0x1  }
0x97: {  	s17 =	sld [smem:$0x3FFB];
	_ =	sdelay $0x3  }
0x98: {  	_ =	strace s17  }
0x99: {  	s3 =	sld [smem:$0x3FFC];
	_ =	sdelay $0x3  }
0x9a: {  	_ =	strace s3  }
0x9b: {  	s3 =	sld [smem:$0x3FFD];
	_ =	sdelay $0x3  }
0x9c: {  	_ =	strace s3  }
0x9d: {  	_ =	strace $0x8FFFFFFF  }
0x9e: {  	s18 =	sld [smem:$0x3FDB];
	_ =	sdelay $0x1  }
0x9f: {  	s19 =	simm.s32 $_scs_section_size  }
0xa0: {  	s5 =	simm.s32 $_size__tile_overlayer_lowered;
	s6 =	simm.s32 $_tile_overlayer_lowered  }
0xa1: {  	s22 =	simm.s32 $0x1BFF;
	s21 =	sshll.u32 s6, $0x1;
	s3 =	sadd.s32 s19, s18  }
0xa2: {  	s7 =	simm.s32 $0x0;
	s20 =	sshll.u32 s5, $0x1;
	s5 =	sadd.s32 s21, s3  }
0xa3: {  	[timem:s7], [sflag:s22] =	dma.local [hbm:s5], s20  }
0xa4: {  	_ =	swait.ge [sflag:s22], s20  }
0xa5: {  	s4 =	ssub.s32 $0x0, s20;
	[sflag:s22] =	ssyncset.done $0x0  }
0xa6: {  	[sflag:s22] =	ssyncadd.s32 s4;
	_ =	sdelay $0x1  }
0xa7: {  	s23 =	simm.s32 $0x1B8B  }
0xa8: {  	_ =	swait.ge [sflag:s23], $0x1  }
0xa9: {  	[sflag:s23] =	ssyncset.done $0x0  }
0xaa: {  	s25 =	simm.s32 $0x1B8E;
	s24 =	sld [smem:$0x3FFE];
	[sflag:s23] =	ssyncadd.s32 $0xFFFFFFFF  }
0xab: {  	s26 =	simm.s32 $execute0_lowered;
	[smem:$0x3FD2] =	sst s25  }
0xac: {  	s5 =	sshll.u32 s26, $0x1;
	_ =	strace $0x80000046;
	[dreg:$0x1] =	wrdreg $0xFFFFFFFF  }
0xad: {  	s28 =	simm.s32 $_size_execute0_lowered;
	s3 =	sadd.s32 s3, s5;
	[dreg:$0x0] =	wrdreg $0x0  }
0xae: {  	s5 =	sshll.u32 s28, $0x1;
	[dreg:$0x2] =	wrdreg s3  }
0xaf: {  	[dreg:$0x3] =	wrdreg s5  }
0xb0: {  	[dreg:$0x4] =	wrdreg $0xC0  }
0xb1: {  	_ =	task [dreg:s7], $0x5FFFF  }
0xb2: {  	[dreg:$0x1] =	wrdreg $0xFFFFFFFF  }
0xb3: {  	[dreg:$0x0] =	wrdreg $0x60  }
0xb4: {  	[dreg:$0x2] =	wrdreg s24  }
0xb5: {  	[dreg:$0x3] =	wrdreg s16  }
0xb6: {  	[dreg:$0x4] =	wrdreg $0x127000  }
0xb7: {  	[dreg:$0x5] =	wrdreg $0x9  }
0xb8: {  	_ =	task.clear_ibuf [dreg:s7], $0x6FFFF;
	_ =	strace $0x90000046  }
0xb9: {  	s29 =	simm.s32 $0x9;
	_ =	strace $0x80000048  }
0xba: {  	_ =	swait.ge [sflag:s29], $0x1  }
0xbb: {  	[sflag:s29] =	ssyncadd.s32 $0xFFFFFFFF  }
0xbc: {  	_ =	strace $0x90000048  }
0xbd: {  	_ =	sfence  }
0xbe: {  	s30 =	sld [smem:$0x0];
	_ =	sdelay $0x2  }
0xbf: {  	s31 =	sshll.u32 s1, $0xD;
	s1 =	sshrl.u32 s1, $0x2  }
0xc0: {  	s3 =	sand.u32 $0x4000, s31;
	s1 =	sadd.s32 s1, s30  }
0xc1: {  	s0 =	sor.u32 s3, s0;
	s1 =	sshll.u32 s1, $0x11  }
0xc2: {  	s0 =	sor.u32 s1, s0  }
0xc3: {  	s0 =	sadd.s32 $0x8F2B, s0  }
0xc4: {  	[sflag:s0] =	ssyncadd.remote.s32 $0x1  }
0xc5: {  	_ =	sfence.sel $0xFFFF  }
0xc6: {  	[dreg:$0x0] =	wrdreg $0xFFFFFFFF;
	(pc) =	sbr.abs _section_cstart, $3  }
0xc7: {  	[dreg:$0x1] =	wrdreg $0xFFFFFFFF  }
0xc8: {  	_ =	task.clear_ibuf [dreg:s7], $0x2FFFF;
	_ =	strace $0x9FFFFFFF  }
0xc9: {  	(tm) =	ssettm $0x7FFFFFFF  }
tec
execute0_lowered:
.L_overlay_start_1:
0x0: {  	(tag) =	ssettag $0x1  }
0x1: {  	s0 =	rddreg [dreg:$0x0]  }
0x2: {  	s1 =	rddreg [dreg:$0x2]  }
0x3: {  	s2 =	simm.s32 $0x0;
	s16 =	srdreg.scid;
	s12 =	stileid.u32  }
0x4: {  	s30 =	simm.s32 $0x1;
	s31 =	simm.s32 $0xE000;
	[smem:$0x7FF] =	sst s2  }
0x5: {  	s4 =	sadd.s32 $0x901400, s0;
	s5 =	sand.u32 $0x1, s16;
	s8 =	smul.u32 $0x90, s12  }
0x6: {  	s6 =	sadd.s32 $0x1400, s0;
	s7 =	smul.u32 $0xA000, s12;
	s19 =	sshll.u32 s12, $0xE  }
0x7: {  	s9 =	sshll.u32 s12, $0xA;
	s10 =	sshll.u32 s12, $0x7;
	s11 =	sshll.u32 s12, $0x5  }
0x8: {  	s12 =	sshll.u32 s12, $0x8;
	_ =	strace $0x80000047;
	s2 =	sshll.u32 s5, $0x4  }
0x9: {  	s3 =	ssub.s32 $0x2, s5;
	s9 =	sand.u32 $0x2000, s9;
	s10 =	sand.u32 $0x380, s10  }
0xa: {  	s11 =	sand.u32 $0x60, s11;
	s12 =	sand.u32 $0xC00, s12;
	s0 =	sadd.s32 s2, s0  }
0xb: {  	s17 =	sshrl.u32 s3, $0x1;
	s18 =	sshrl.u32 s8, $0x2;
	s9 =	sadd.s32 s9, s1  }
0xc: {  	s1 =	sadd.s32 s19, s1;
	s2 =	ssub.s32 s3, s17;
	s8 =	sor.u32 $0xE000, s18  }
0xd: {  	[dreg:$0x4] =	wrdreg s1;
	s10 =	sadd.s32 s10, s9;
	s20 =	smax.u32 s2, $0x1  }
0xe: {  	s0 =	sadd.s32 s11, s0;
	s21 =	sadd.s32 $0x400, s10;
	[dreg:$0x6] =	wrdreg s20  }
0xf: {  	s3 =	simm.s32 $0x80;
	s22 =	sadd.s32 $0x800, s10;
	[dreg:$0x7] =	wrdreg s21  }
0x10: {  	s1 =	simm.s32 $0x4000;
	s23 =	sadd.s32 $0xC00, s10;
	[dreg:$0x8] =	wrdreg s22  }
0x11: {  	s0 =	sadd.s32 s12, s0;
	s24 =	sadd.s32 $0x1000, s10;
	[dreg:$0x9] =	wrdreg s23  }
0x12: {  	s25 =	sadd.s32 $0x1400, s10;
	s26 =	sadd.s32 $0x1800, s10;
	[dreg:$0xa] =	wrdreg s24  }
0x13: {  	s29 =	sadd.s32 $0x1C00, s10;
	s28 =	sadd.s32 $0x21C00, s10;
	[dreg:$0xb] =	wrdreg s25  }
0x14: {  	s2 =	simm.s32 $0x0;
	s0 =	sadd.s32 $0x1E00, s0;
	[dreg:$0xc] =	wrdreg s26  }
0x15: {  	[dreg:$0xd] =	wrdreg s29;
	s20 =	sadd.s32 $0x20000, s10;
	s21 =	sadd.s32 $0x20400, s10  }
0x16: {  	s22 =	sadd.s32 $0x20800, s10;
	s23 =	sadd.s32 $0x20C00, s10;
	s24 =	sadd.s32 $0x21000, s10  }
0x17: {  	s25 =	sadd.s32 $0x21400, s10;
	s26 =	sadd.s32 $0x21800, s10;
	[dreg:$0x5] =	wrdreg s0  }
.LBB2_1:
0x18: {  	s0 =	rddreg [dreg:$0x1];
	s9 =	simm.s32 $0x0;
	s11 =	simm.s32 $0xE280  }
0x19: {  	[tilespmem:s11], [sflag:$0x1] =	stream.linear.gather [hbm4b:s0+s9], $0x20, $0x38;
	[tilespmem:$0x16700] =	vst v63  }
0x1a: {  	_ =	swait.ge [sflag:s30], $0x20  }
0x1b: {  	[sflag:s30] =	ssyncset.done $0x0  }
0x1c: {  	s29 =	simm.s32 $0x0;
	[sflag:s30] =	ssyncadd.s32 $0xFFFFFFE0  }
.LBB2_2:
0x1d: {  	s0 =	sshll.u32 s29, $0x1  }
0x1e: {  	s9 =	sor.u32 s5, s0  }
0x1f: {  	v0 =	vld [tilespmem:s9+$0xE280];
	_ =	sdelay $0x4  }
0x20: {  	(v2sf) =	vpush v0, $0x0;
	_ =	sdelay $0xe  }
0x21: {  	s17 =	spop (v2sf)  }
0x22: {  	s0 =	smul.u32 $0xA0000, s17;
	_ =	sdelay $0x1  }
0x23: {  	s0 =	sadd.s32 s7, s0  }
0x24: {  	s0 =	sshrl.u32 s0, $0x3  }
0x25: {  	s11 =	sadd.s32 s4, s0;
	s0 =	simm.s32 $0x0  }
0x26: {  	[tilespmem:s0], [sflag:$0x1] =	stream.linear.gather [hbm4b:s11+s0], $0xA000, $0x38;
	[tilespmem:$0x16700] =	vst v63  }
0x27: {  	s9 =	smul.u32 $0x48, s9;
	_ =	swait.ge [sflag:s30], $0xA000  }
0x28: {  	[sflag:s30] =	ssyncset.done $0x0  }
0x29: {  	s9 =	sadd.s32 s6, s9;
	[sflag:s30] =	ssyncadd.s32 $0xFFFF6000  }
0x2a: {  	[tilespmem:s31], [sflag:$0x1] =	stream.linear.gather [hbm4b:s9+s0], $0x240, $0x38;
	[tilespmem:$0x16700] =	vst v63  }
0x2b: {  	s18 =	sshll.u32 s29, $0xA;
	s19 =	sshll.u32 s29, $0x7;
	_ =	swait.ge [sflag:s30], $0x240  }
0x2c: {  	s11 =	sand.u32 $0x380, s19;
	s9 =	sand.u32 $0x2000, s18;
	[sflag:s30] =	ssyncset.done $0x0  }
0x2d: {  	v0 =	vmov s11;
	s11 =	simm.s32 $0x0;
	s9 =	sadd.s32 $0xA000, s9;
	[sflag:s30] =	ssyncadd.s32 $0xFFFFFDC0  }
.LBB2_3:
0x2e: {  	s12 =	sshll.u32 s11, $0x6;
	s13 =	sshll.u32 s11, $0x9  }
0x2f: {  	s12 =	sand.u32 $0x40, s12;
	s13 =	sand.u32 $0x1C00, s13  }
0x30: {  	s15 =	sand.u32 $0xE000, s0;
	s14 =	sor.u32 s12, s13  }
0x31: {  	s16 =	sand.u32 $0x380, s0;
	s15 =	sor.u32 s15, s14  }
0x32: {  	v7 =	vld.msk [tilespmem:s8+$0x0 ss:$0x0], $0xffff;
	s15 =	sadd.s32 s16, s15  }
0x33: {  	v2 =	vld [tilespmem:s15+$0x30]  }
0x34: {  	v5 =	vld [tilespmem:s15+$0x0]  }
0x35: {  	v6 =	vld [tilespmem:s15+$0x10]  }
0x36: {  	s19 =	simm.s32 $0x400;
	v10 =	vld [tilespmem:s15+$0x20]  }
0x37: {  	s17 =	simm.s32 $0x80;
	s16 =	sand.u32 $0xE000, s19  }
0x38: {  	s17 =	sand.u32 $0x380, s17;
	s16 =	sor.u32 s16, s14;
	s15 =	sadd.s32 $0x1, s8  }
0x39: {  	s16 =	sadd.s32 s17, s16;
	v1 =	vld.msk [tilespmem:s15+$0x0 ss:$0x0], $0xffff  }
0x3a: {  	v3 =	vld [tilespmem:s16+$0x30];
	v2 =	vmul.f32 v2, v7;
	v11 =	vmul.f32 v5, v7  }
0x3b: {  	v4 =	vimm.f32 $0.0e+00;
	v8 =	vld [tilespmem:s16+$0x10];
	v9 =	vmul.f32 v6, v7;
	v10 =	vmul.f32 v10, v7  }
0x3c: {  	s18 =	simm.s32 $0x100;
	s17 =	simm.s32 $0x800;
	v5 =	vld [tilespmem:s16+$0x0];
	v7 =	vimm.f32 $0.0e+00;
	v2 =	vadd.f32 v2, v4;
	v6 =	vadd.f32 v11, v4  }
.LBB2_4:
0x3d: {  	s19 =	sand.u32 $0xE000, s17  }
0x3e: {  	p0 =	sne.s32 s17, $0x8C00;
	s17 =	sadd.s32 $0x400, s17;
	v11 =	vld [tilespmem:s16+$0x20];
	v4 =	vadd.f32 v9, v4;
	s16 =	sand.u32 $0x380, s18  }
.Ltmp0:
0x3f: {  	s15 =	sadd.s32 $0x1, s15;
	s19 =	sor.u32 s19, s14;
	v7 =	vadd.f32 v10, v7;
	(pc) =	sbr.rel @p0 .LBB2_4-.Ltmp0, $4  }
0x40: {  	v12 =	vmov v1;
	s16 =	sadd.s32 s16, s19;
	v10 =	vmul.f32 v3, v1;
	v1 =	vld.msk [tilespmem:s15+$0x0 ss:$0x0], $0xffff  }
0x41: {  	v3 =	vld [tilespmem:s16+$0x30];
	v13 =	vmul.f32 v5, v12  }
0x42: {  	v5 =	vld [tilespmem:s16+$0x0];
	v9 =	vmul.f32 v8, v12;
	v2 =	vadd.f32 v10, v2  }
0x43: {  	s18 =	sadd.s32 $0x80, s18;
	v8 =	vld [tilespmem:s16+$0x10];
	v6 =	vadd.f32 v13, v6;
	v10 =	vmul.f32 v11, v12  }
0x44: {  	v11 =	vld [tilespmem:s16+$0x20];
	_ =	sdelay $0x2  }
0x45: {  	v5 =	vmul.f32 v5, v1  }
0x46: {  	v4 =	vadd.f32 v9, v4;
	s11 =	sadd.s32 $0x1, s11;
	v8 =	vmul.f32 v8, v1  }
0x47: {  	s13 =	sadd.s32 s13, s9;
	v7 =	vadd.f32 v10, v7;
	p0 =	sne.s32 s11, $0x10;
	v5 =	vadd.f32 v5, v6;
	v62 =	vmul.f32 v11, v1  }
.Ltmp1:
0x48: {  	s12 =	sadd.s32 s12, s13;
	v1 =	vmul.f32 v3, v1;
	v3 =	vadd.f32 v8, v4;
	(pc) =	sbr.rel @p0 .LBB2_3-.Ltmp1, $4  }
0x49: {  	v63 =	vadd.f32 v62, v7;
	[tilespmem:v0+s12+$0x0 ss:$0x1] =	vst.idx.msk $0xffff, v5  }
0x4a: {  	v1 =	vadd.f32 v1, v2;
	[tilespmem:v0+s12+$0x10 ss:$0x1] =	vst.idx.msk $0xffff, v3  }
0x4b: {  	[tilespmem:v0+s12+$0x20 ss:$0x1] =	vst.idx.msk $0xffff, v63  }
0x4c: {  	[tilespmem:v0+s12+$0x30 ss:$0x1] =	vst.idx.msk $0xffff, v1  }
0x4d: {  	s29 =	sadd.s32 $0x1, s29  }
0x4e: {  	p0 =	sne.s32 s29, $0x10  }
.Ltmp2:
0x4f: {  	_ = 	snop;
	(pc) =	sbr.rel @p0 .LBB2_2-.Ltmp2, $1  }
0x50: {  	_ =	sdelay $0x3  }
0x51: {  	s0 =	rddreg [dreg:$0x4];
	s9 =	simm.s32 $0xA000  }
0x52: {  	[spmem:s0] =	stream.linear.scatter [tilespmem:s9], [sflag:$0x1], $0x4000, $0x38;
	[tilespmem:$0x16700] =	vst v63  }
0x53: {  	_ =	swait.ge [sflag:s30], $0x4000  }
0x54: {  	[sflag:s30] =	ssyncset.done $0x0  }
0x55: {  	[sflag:s30] =	ssyncadd.s32 $0xFFFFC000  }
0x56: {  	s18 =	simm.s32 $0xE300;
	[bflag:$0x0] =	sbarrier.arrive $0xFFFF  }
0x57: {  	[tilespmem:s18], [sflag:$0x1] =	stream.strided.gather [spmem:s10], $0x400, s1, s3, $0x38;
	[tilespmem:$0x16700] =	vst v63  }
0x58: {  	s29 =	simm.s32 $0xE700;
	s19 =	rddreg [dreg:$0x7]  }
0x59: {  	[tilespmem:s29], [sflag:$0x1] =	stream.strided.gather [spmem:s19], $0x400, s1, s3, $0x38;
	[tilespmem:$0x16700] =	vst v63  }
0x5a: {  	s12 =	simm.s32 $0xEB00;
	s11 =	rddreg [dreg:$0x8]  }
0x5b: {  	[tilespmem:s12], [sflag:$0x1] =	stream.strided.gather [spmem:s11], $0x400, s1, s3, $0x38;
	[tilespmem:$0x16700] =	vst v63  }
0x5c: {  	s14 =	simm.s32 $0xEF00;
	s13 =	rddreg [dreg:$0x9]  }
0x5d: {  	[tilespmem:s14], [sflag:$0x1] =	stream.strided.gather [spmem:s13], $0x400, s1, s3, $0x38;
	[tilespmem:$0x16700] =	vst v63  }
0x5e: {  	s16 =	simm.s32 $0xF300;
	s15 =	rddreg [dreg:$0xa]  }
0x5f: {  	[tilespmem:s16], [sflag:$0x1] =	stream.strided.gather [spmem:s15], $0x400, s1, s3, $0x38;
	[tilespmem:$0x16700] =	vst v63  }
0x60: {  	s17 =	rddreg [dreg:$0xb];
	s18 =	simm.s32 $0xF700  }
0x61: {  	[tilespmem:s18], [sflag:$0x1] =	stream.strided.gather [spmem:s17], $0x400, s1, s3, $0x38;
	[tilespmem:$0x16700] =	vst v63  }
0x62: {  	s19 =	rddreg [dreg:$0xc];
	s29 =	simm.s32 $0xFB00  }
0x63: {  	[tilespmem:s29], [sflag:$0x1] =	stream.strided.gather [spmem:s19], $0x400, s1, s3, $0x38;
	[tilespmem:$0x16700] =	vst v63  }
0x64: {  	s11 =	rddreg [dreg:$0xd];
	s12 =	simm.s32 $0xFF00  }
0x65: {  	[tilespmem:s12], [sflag:$0x1] =	stream.strided.gather [spmem:s11], $0x400, s1, s3, $0x38;
	[tilespmem:$0x16700] =	vst v63  }
0x66: {  	s13 =	simm.s32 $0x10300  }
0x67: {  	[tilespmem:s13], [sflag:$0x1] =	stream.strided.gather [spmem:s20], $0x400, s1, s3, $0x38;
	[tilespmem:$0x16700] =	vst v63  }
0x68: {  	s14 =	simm.s32 $0x10700  }
0x69: {  	[tilespmem:s14], [sflag:$0x1] =	stream.strided.gather [spmem:s21], $0x400, s1, s3, $0x38;
	[tilespmem:$0x16700] =	vst v63  }
0x6a: {  	s15 =	simm.s32 $0x10B00  }
0x6b: {  	[tilespmem:s15], [sflag:$0x1] =	stream.strided.gather [spmem:s22], $0x400, s1, s3, $0x38;
	[tilespmem:$0x16700] =	vst v63  }
0x6c: {  	s16 =	simm.s32 $0x10F00  }
0x6d: {  	[tilespmem:s16], [sflag:$0x1] =	stream.strided.gather [spmem:s23], $0x400, s1, s3, $0x38;
	[tilespmem:$0x16700] =	vst v63  }
0x6e: {  	s17 =	simm.s32 $0x11300  }
0x6f: {  	[tilespmem:s17], [sflag:$0x1] =	stream.strided.gather [spmem:s24], $0x400, s1, s3, $0x38;
	[tilespmem:$0x16700] =	vst v63  }
0x70: {  	s18 =	simm.s32 $0x11700  }
0x71: {  	[tilespmem:s18], [sflag:$0x1] =	stream.strided.gather [spmem:s25], $0x400, s1, s3, $0x38;
	[tilespmem:$0x16700] =	vst v63  }
0x72: {  	s19 =	simm.s32 $0x11B00  }
0x73: {  	[tilespmem:s19], [sflag:$0x1] =	stream.strided.gather [spmem:s26], $0x400, s1, s3, $0x38;
	[tilespmem:$0x16700] =	vst v63  }
0x74: {  	s29 =	simm.s32 $0x11F00  }
0x75: {  	[tilespmem:s29], [sflag:$0x1] =	stream.strided.gather [spmem:s28], $0x400, s1, s3, $0x38;
	[tilespmem:$0x16700] =	vst v63  }
0x76: {  	_ =	swait.ge [sflag:s30], $0x4000  }
0x77: {  	[sflag:s30] =	ssyncset.done $0x0  }
0x78: {  	s0 =	simm.s32 $0x0;
	s9 =	simm.s32 $0x0;
	[sflag:s30] =	ssyncadd.s32 $0xFFFFC000  }
.LBB2_8:
0x79: {  	s11 =	sshll.u32 s9, $0x6;
	s12 =	sshll.u32 s9, $0x9  }
0x7a: {  	s13 =	sand.u32 $0x40, s11;
	s12 =	sand.u32 $0x1C00, s12  }
0x7b: {  	s12 =	sor.u32 s13, s12  }
0x7c: {  	s29 =	sand.u32 $0x2000, s0;
	s12 =	sor.u32 $0xE300, s12  }
0x7d: {  	s14 =	sand.u32 $0x380, s0;
	s13 =	sadd.s32 s29, s12  }
0x7e: {  	s13 =	sadd.s32 s14, s13  }
0x7f: {  	v1 =	vld [tilespmem:s13+$0x30]  }
0x80: {  	v0 =	vimm.f32 $0.0e+00;
	v2 =	vld [tilespmem:s13+$0x0]  }
0x81: {  	s15 =	simm.s32 $0x80;
	v5 =	vimm.f32 $0.0e+00;
	v6 =	vimm.f32 $0.0e+00;
	v4 =	vimm.f32 $0.0e+00;
	s14 =	simm.s32 $0x400;
	v3 =	vld [tilespmem:s13+$0x10]  }
.LBB2_9:
0x82: {  	s16 =	sand.u32 $0x2000, s14;
	p0 =	sne.s32 s14, $0x3C00;
	s14 =	sadd.s32 $0x400, s14;
	v7 =	vld [tilespmem:s13+$0x20]  }
.Ltmp3:
0x83: {  	s13 =	sand.u32 $0x380, s15;
	s16 =	sadd.s32 s16, s12;
	(pc) =	sbr.rel @p0 .LBB2_9-.Ltmp3, $4  }
0x84: {  	s13 =	sadd.s32 s13, s16;
	v0 =	vadd.f32 v1, v0  }
0x85: {  	v1 =	vld [tilespmem:s13+$0x30];
	v5 =	vadd.f32 v2, v5  }
0x86: {  	v2 =	vld [tilespmem:s13+$0x0];
	v6 =	vadd.f32 v3, v6  }
0x87: {  	s15 =	sadd.s32 $0x80, s15;
	v3 =	vld [tilespmem:s13+$0x10];
	v4 =	vadd.f32 v7, v4  }
0x88: {  	v7 =	vld [tilespmem:s13+$0x20]  }
0x89: {  	s9 =	sadd.s32 $0x1, s9  }
0x8a: {  	p0 =	sne.s32 s9, $0x10;
	v0 =	vadd.f32 v1, v0  }
.Ltmp4:
0x8b: {  	s11 =	sand.u32 $0x3FFFFFC0, s11;
	v2 =	vadd.f32 v2, v5;
	(pc) =	sbr.rel @p0 .LBB2_8-.Ltmp4, $4  }
0x8c: {  	v3 =	vadd.f32 v3, v6;
	[tilespmem:s11+$0x12330] =	vst v0  }
0x8d: {  	v4 =	vadd.f32 v7, v4;
	[tilespmem:s11+$0x12300] =	vst v2  }
0x8e: {  	[tilespmem:s11+$0x12310] =	vst v3  }
0x8f: {  	[tilespmem:s11+$0x12320] =	vst v4  }
0x90: {  	s0 =	rddreg [dreg:$0x5];
	s9 =	simm.s32 $0x400;
	s11 =	simm.s32 $0x12300  }
0x91: {  	[hbm4b:s0+s3] =	stream.strided.scatter [tilespmem:s11], [sflag:$0x1], $0x400, s9, s3, $0x38;
	[tilespmem:$0x16700] =	vst v63  }
0x92: {  	_ =	swait.ge [sflag:s30], $0x400  }
0x93: {  	s2 =	sadd.s32 $0x1, s2;
	s29 =	rddreg [dreg:$0x6]  }
0x94: {  	p0 =	sne.s32 s2, s29  }
.Ltmp5:
0x95: {  	_ = 	snop;
	(pc) =	sbr.rel @p0 .LBB2_1-.Ltmp5, $3  }
0x96: {  	_ =	sdelay $0x1  }
0x97: {  	[sflag:s30] =	ssyncset.done $0x0  }
0x98: {  	[sflag:s30] =	ssyncadd.s32 $0xFFFFFC00  }
0x99: {  	_ =	sfence.sel $0x180000  }
0x9a: {  	[bflag:$0x0] =	sbarrier.arrive $0xFFFF  }
0x9b: {  	_ =	strace $0x90000047  }
0x9c: {  	s0 =	stileid.u32;
	[bflag:$0x2] =	sbarrier.arrive $0xFFFF  }
0x9d: {  	p0 =	sne.s32 s0, $0x0;
	s0 =	rddreg [dreg:$0x3]  }
0x9e: {  	s0 =	sadd.s32 @!p0 $0x100000, s0  }
0x9f: {  	[sflag:s0] =	ssyncadd.tile.s32 @!p0 $0x1;
	_ =	shalt  }
.Lfunc_end2:
_tile_overlayer_lowered:
.L_overlay_start_2:
0xa0: {  	(tag) =	ssettag $0x2  }
0xa1: {  	s0 =	rddreg [dreg:$0x0];
	s2 =	stileid.u32  }
0xa2: {  	s1 =	rddreg [dreg:$0x1];
	p0 =	sne.s32 s2, $0x0  }
0xa3: {  	s3 =	rddreg [dreg:$0x2];
	[bflag:$0x3] =	sbarrier.arrive $0xFFFF;
	s2 =	simm.s32 @!p0 $0x1C01  }
0xa4: {  	[timem:s3], [sflag:s2] =	dma.local @!p0 [hbm:s0], s1  }
0xa5: {  	s0 =	simm.s32 @!p0 $0x1  }
0xa6: {  	_ =	swait.ge @!p0 [sflag:s0], s1  }
0xa7: {  	s1 =	ssub.s32 @!p0 $0x0, s1;
	[sflag:s0] =	ssyncset.done @!p0 $0x0  }
0xa8: {  	[sflag:s0] =	ssyncadd.s32 @!p0 s1  }
0xa9: {  	[bflag:$0x3] =	sbarrier.arrive $0xFFFF  }
0xaa: {  	_ =	shalt  }

</sc_bundles>
